<compile_context>
chip_gen: v7x
topology: tpu7x:2x2x1
jax: 0.10.2.dev20260603
libtpu: 0.0.44.dev20260713+nightly
codegen_flags: <defaults>
</compile_context>

<pallas_src>
import jax
import jax.numpy as jnp
from jax import lax
from jax.experimental import pallas as pl
from jax.experimental.pallas import tpu as pltpu
from jax.experimental.pallas import tpu_sc as plsc

E = 6_400_000
CHUNK = 1024
NCHUNKS = E // CHUNK
NW = 32
CPW = NCHUNKS // NW
EXTRA = NCHUNKS % NW
CMAX = CPW + 1
NQUAD = CMAX // 4
VI = CHUNK // 16


def _body(tab_hbm, src_hbm, dst_hbm, sig1_hbm, sig2_hbm, out_hbm,
          i1b0, i1b1, i1b2, i1b3, i2b0, i2b1, i2b2, i2b3,
          r1b0, r1b1, r1b2, r1b3, r2b0, r2b1, r2b2, r2b3,
          ob0, ob1, ob2, ob3, sig1_v, sig2_v, tabs_sh,
          is0, is1, is2, is3, gs0, gs1, gs2, gs3, os0, os1, os2, os3):
    nc = 2
    sid = lax.axis_index("s")
    wid = sid * nc + lax.axis_index("c")

    @pl.when(sid == 0)
    def _():
        pltpu.sync_copy(tab_hbm, tabs_sh)

    plsc.subcore_barrier()

    pltpu.sync_copy(sig1_hbm, sig1_v)
    pltpu.sync_copy(sig2_hbm, sig2_v)
    s1 = sig1_v[...]
    s2 = sig2_v[...]
    c1 = s1 * s1
    c2 = s2 * s2

    first = wid * CPW + jnp.minimum(wid, EXTRA)
    nchunks = CPW + jnp.where(wid < EXTRA, 1, 0)
    last = nchunks - 1

    idx1 = (i1b0, i1b1, i1b2, i1b3)
    idx2 = (i2b0, i2b1, i2b2, i2b3)
    rows1 = (r1b0, r1b1, r1b2, r1b3)
    rows2 = (r2b0, r2b1, r2b2, r2b3)
    outs = (ob0, ob1, ob2, ob3)
    isems = (is0, is1, is2, is3)
    gsems = (gs0, gs1, gs2, gs3)
    osems = (os0, os1, os2, os3)

    def e0_of(c):
        return (first + jnp.minimum(c, last)) * CHUNK

    def start_idx(c, s):
        e0 = e0_of(c)
        pltpu.async_copy(src_hbm.at[pl.ds(e0, CHUNK)], idx1[s], isems[s])
        pltpu.async_copy(dst_hbm.at[pl.ds(e0, CHUNK)], idx2[s], isems[s])

    def wait_idx(s):
        pltpu.make_async_copy(src_hbm.at[pl.ds(0, CHUNK)], idx1[s],
                              isems[s]).wait()
        pltpu.make_async_copy(dst_hbm.at[pl.ds(0, CHUNK)], idx2[s],
                              isems[s]).wait()

    def fire_gathers(s):
        pltpu.async_copy(tabs_sh.at[idx1[s]], rows1[s], gsems[s])
        pltpu.async_copy(tabs_sh.at[idx2[s]], rows2[s], gsems[s])

    def wait_gathers(s):
        pltpu.make_async_copy(tabs_sh.at[idx1[s]], rows1[s], gsems[s]).wait()
        pltpu.make_async_copy(tabs_sh.at[idx2[s]], rows2[s], gsems[s]).wait()

    def start_out(c, s):
        pltpu.async_copy(outs[s], out_hbm.at[pl.ds(e0_of(c), CHUNK)], osems[s])

    def wait_out(s):
        pltpu.make_async_copy(outs[s], out_hbm.at[pl.ds(0, CHUNK)],
                              osems[s]).wait()

    def compute(s):
        r1, r2, ov = rows1[s], rows2[s], outs[s]

        def vec_body(i, carry2):
            rows = i * 16 + lax.iota(jnp.int32, 16)

            def col(rref, j):
                return plsc.load_gather(
                    rref, [rows, jnp.full((16,), j, jnp.int32)])

            dx = col(r1, 0) - col(r2, 0)
            dy = col(r1, 1) - col(r2, 1)
            dz = col(r1, 2) - col(r2, 2)
            D = dx * dx + dy * dy + dz * dz
            dot = (col(r1, 3) * col(r2, 3)
                   + col(r1, 4) * col(r2, 4)
                   + col(r1, 5) * col(r2, 5))
            t = 1.0 - dot
            T = t * t
            ov[pl.ds(i * 16, 16)] = jnp.exp(-(D * c1 + T * c2))
            return carry2

        lax.fori_loop(0, VI, vec_body, 0)

    for s in range(4):
        start_idx(s, s)
    wait_idx(0)
    fire_gathers(0)
    wait_idx(1)
    fire_gathers(1)

    def quad_body(q, carry):
        for s in range(4):
            c = 4 * q + s
            wait_gathers(s)

            @pl.when(q > 0)
            def _():
                wait_out(s)

            compute(s)
            start_out(c, s)
            start_idx(c + 4, s)
            s2p = (s + 2) % 4
            wait_idx(s2p)
            fire_gathers(s2p)
        return carry

    lax.fori_loop(0, NQUAD, quad_body, 0)

    wait_gathers(0)
    wait_gathers(1)
    wait_idx(2)
    wait_idx(3)
    for s in range(4):
        wait_out(s)


def kernel(edge_coordinate, edge_index, inverse_sigma1, inverse_sigma2):
    n = edge_coordinate.shape[0]
    tab = jnp.concatenate(
        [edge_coordinate.astype(jnp.float32),
         jnp.zeros((n, 2), jnp.float32)], axis=1)
    src = edge_index[0].astype(jnp.int32)
    dst = edge_index[1].astype(jnp.int32)
    sig1 = jnp.broadcast_to(inverse_sigma1.astype(jnp.float32), (16,))
    sig2 = jnp.broadcast_to(inverse_sigma2.astype(jnp.float32), (16,))

    mesh = plsc.VectorSubcoreMesh(
        core_axis_name="c", subcore_axis_name="s", num_cores=2, num_subcores=16)
    run = pl.kernel(
        _body,
        out_type=jax.ShapeDtypeStruct((E,), jnp.float32),
        mesh=mesh,
        compiler_params=pltpu.CompilerParams(
            needs_layout_passes=False, use_tc_tiling_on_sc=False),
        scratch_types=(
            [pltpu.VMEM((CHUNK,), jnp.int32)] * 8
            + [pltpu.VMEM((CHUNK, 8), jnp.float32)] * 8
            + [pltpu.VMEM((CHUNK,), jnp.float32)] * 4
            + [pltpu.VMEM((16,), jnp.float32)] * 2
            + [pltpu.VMEM_SHARED((100000, 8), jnp.float32)]
            + [pltpu.SemaphoreType.DMA] * 12
        ),
    )
    return run(tab, src, dst, sig1, sig2)

# --- scband reference (transcript-rebuilt; emitter-appended) ---
"""Pipeline reference for scband-gauss-kernel-23759759081883 (READ-ONLY COPY).

The authoritative reference and input builder live on the scoring server;
editing this copy changes nothing except your own understanding.
"""

import jax, jax.numpy as jnp
import numpy as np

N_NODES = 100000
N_EDGES = 6400000


def setup_inputs(seed: int = 0) -> dict:
    key = jax.random.key(seed)
    k1, k2, k3, k4 = jax.random.split(key, 4)
    edge_coordinate = jax.random.normal(k1, (N_NODES, 6), dtype=jnp.float32)
    edge_index = jax.random.randint(k2, (2, N_EDGES), 0, N_NODES, dtype=jnp.int64)
    inverse_sigma1 = jax.random.uniform(k3, (1,), dtype=jnp.float32) * 0.0001 + 0.001
    inverse_sigma2 = jax.random.uniform(k4, (1,), dtype=jnp.float32) + 1.0
    return {
        "edge_coordinate": edge_coordinate,
        "edge_index": edge_index,
        "inverse_sigma1": inverse_sigma1,
        "inverse_sigma2": inverse_sigma2,
    }


def reference(edge_coordinate, edge_index, inverse_sigma1, inverse_sigma2):
    src = edge_index[0]
    dst = edge_index[1]
    pos1 = jnp.take(edge_coordinate, src, axis=0)[:, 0:3]
    pos2 = jnp.take(edge_coordinate, dst, axis=0)[:, 0:3]
    ang1 = jnp.take(edge_coordinate, src, axis=0)[:, 3:6]
    ang2 = jnp.take(edge_coordinate, dst, axis=0)[:, 3:6]
    D = ((pos1 - pos2) ** 2).sum(-1)
    T = (1.0 - (ang1 * ang2).sum(-1)) ** 2
    A = jnp.exp(-(D * inverse_sigma1 ** 2 + T * inverse_sigma2 ** 2))
    return A

if __name__ == "__main__":
    import jax
    _d = setup_inputs()
    print(jax.jit(kernel)(*tuple(_d.values())))

</pallas_src>

<mosaic_0001>
#map = affine_map<(d0, d1) -> (0, 0)>
#map1 = affine_map<(d0, d1) -> (0)>
module attributes {stable_mosaic.version = 14 : i64} {
  func.func @_body(%arg0: i32, %arg1: i32, %arg2: memref<100000x8xf32, #tpu.memory_space<hbm>>, %arg3: memref<6400000xi32, #tpu.memory_space<hbm>>, %arg4: memref<6400000xi32, #tpu.memory_space<hbm>>, %arg5: memref<16xf32, #tpu.memory_space<hbm>>, %arg6: memref<16xf32, #tpu.memory_space<hbm>>, %arg7: memref<6400000xf32, #tpu.memory_space<hbm>>, %arg8: memref<1024xi32, #tpu.memory_space<vmem>>, %arg9: memref<1024xi32, #tpu.memory_space<vmem>>, %arg10: memref<1024xi32, #tpu.memory_space<vmem>>, %arg11: memref<1024xi32, #tpu.memory_space<vmem>>, %arg12: memref<1024xi32, #tpu.memory_space<vmem>>, %arg13: memref<1024xi32, #tpu.memory_space<vmem>>, %arg14: memref<1024xi32, #tpu.memory_space<vmem>>, %arg15: memref<1024xi32, #tpu.memory_space<vmem>>, %arg16: memref<1024x8xf32, #tpu.memory_space<vmem>>, %arg17: memref<1024x8xf32, #tpu.memory_space<vmem>>, %arg18: memref<1024x8xf32, #tpu.memory_space<vmem>>, %arg19: memref<1024x8xf32, #tpu.memory_space<vmem>>, %arg20: memref<1024x8xf32, #tpu.memory_space<vmem>>, %arg21: memref<1024x8xf32, #tpu.memory_space<vmem>>, %arg22: memref<1024x8xf32, #tpu.memory_space<vmem>>, %arg23: memref<1024x8xf32, #tpu.memory_space<vmem>>, %arg24: memref<1024xf32, #tpu.memory_space<vmem>>, %arg25: memref<1024xf32, #tpu.memory_space<vmem>>, %arg26: memref<1024xf32, #tpu.memory_space<vmem>>, %arg27: memref<1024xf32, #tpu.memory_space<vmem>>, %arg28: memref<16xf32, #tpu.memory_space<vmem>>, %arg29: memref<16xf32, #tpu.memory_space<vmem>>, %arg30: memref<100000x8xf32, #tpu.memory_space<vmem_shared>>, %arg31: memref<!tpu.dma_semaphore, #tpu.memory_space<semaphore_mem>>, %arg32: memref<!tpu.dma_semaphore, #tpu.memory_space<semaphore_mem>>, %arg33: memref<!tpu.dma_semaphore, #tpu.memory_space<semaphore_mem>>, %arg34: memref<!tpu.dma_semaphore, #tpu.memory_space<semaphore_mem>>, %arg35: memref<!tpu.dma_semaphore, #tpu.memory_space<semaphore_mem>>, %arg36: memref<!tpu.dma_semaphore, #tpu.memory_space<semaphore_mem>>, %arg37: memref<!tpu.dma_semaphore, #tpu.memory_space<semaphore_mem>>, %arg38: memref<!tpu.dma_semaphore, #tpu.memory_space<semaphore_mem>>, %arg39: memref<!tpu.dma_semaphore, #tpu.memory_space<semaphore_mem>>, %arg40: memref<!tpu.dma_semaphore, #tpu.memory_space<semaphore_mem>>, %arg41: memref<!tpu.dma_semaphore, #tpu.memory_space<semaphore_mem>>, %arg42: memref<!tpu.dma_semaphore, #tpu.memory_space<semaphore_mem>>) attributes {dimension_semantics = [#tpu.dimension_semantics<core_parallel>, #tpu.dimension_semantics<subcore_parallel>], iteration_bounds = array<i64: 2, 16>, scalar_prefetch = 0 : i64, scratch_operands = 35 : i64, tpu.core_type = #tpu.core_type<sc_vector_subcore>, window_params = [{transform_indices = #map}, {transform_indices = #map1}, {transform_indices = #map1}, {transform_indices = #map1}, {transform_indices = #map1}, {transform_indices = #map1}]} {
    %mul3A = arith.constant 2 : i32
    %mul3A_0 = arith.muli %arg1, %mul3A : i32
    %add3A = arith.addi %mul3A_0, %arg0 : i32
    %eq3A = arith.constant 0 : i32
    %eq3A_1 = arith.cmpi eq, %arg1, %eq3A : i32
    %convert_element_type3A = arith.extui %eq3A_1 : i1 to i32
    %cond3A = arith.constant 0 : i32
    %cond3A_2 = arith.cmpi ne, %convert_element_type3A, %cond3A : i32
    scf.if %cond3A_2 {
      "tpu.region"() ({
        %run_scoped3A = tpu.sem_alloc : memref<!tpu.dma_semaphore, #tpu.memory_space<semaphore_mem>>
        tpu.enqueue_dma source(%arg2 : memref<100000x8xf32, #tpu.memory_space<hbm>>) target(%arg30 : memref<100000x8xf32, #tpu.memory_space<vmem_shared>>) target_semaphore(%run_scoped3A : memref<!tpu.dma_semaphore, #tpu.memory_space<semaphore_mem>>)
        tpu.wait_dma2 semaphore(%run_scoped3A : memref<!tpu.dma_semaphore, #tpu.memory_space<semaphore_mem>>) src(%arg2 : memref<100000x8xf32, #tpu.memory_space<hbm>>) dst(%arg30 : memref<100000x8xf32, #tpu.memory_space<vmem_shared>>)
        tpu.yield
      }) : () -> ()
    } else {
    }
    %barrier3A = arith.constant 0 : index
    tpu.barrier barrier_id(%barrier3A)
    "tpu.region"() ({
      %run_scoped3A = tpu.sem_alloc : memref<!tpu.dma_semaphore, #tpu.memory_space<semaphore_mem>>
      tpu.enqueue_dma source(%arg5 : memref<16xf32, #tpu.memory_space<hbm>>) target(%arg28 : memref<16xf32, #tpu.memory_space<vmem>>) target_semaphore(%run_scoped3A : memref<!tpu.dma_semaphore, #tpu.memory_space<semaphore_mem>>)
      tpu.wait_dma2 semaphore(%run_scoped3A : memref<!tpu.dma_semaphore, #tpu.memory_space<semaphore_mem>>) src(%arg5 : memref<16xf32, #tpu.memory_space<hbm>>) dst(%arg28 : memref<16xf32, #tpu.memory_space<vmem>>)
      tpu.yield
    }) : () -> ()
    "tpu.region"() ({
      %run_scoped3A = tpu.sem_alloc : memref<!tpu.dma_semaphore, #tpu.memory_space<semaphore_mem>>
      tpu.enqueue_dma source(%arg6 : memref<16xf32, #tpu.memory_space<hbm>>) target(%arg29 : memref<16xf32, #tpu.memory_space<vmem>>) target_semaphore(%run_scoped3A : memref<!tpu.dma_semaphore, #tpu.memory_space<semaphore_mem>>)
      tpu.wait_dma2 semaphore(%run_scoped3A : memref<!tpu.dma_semaphore, #tpu.memory_space<semaphore_mem>>) src(%arg6 : memref<16xf32, #tpu.memory_space<hbm>>) dst(%arg29 : memref<16xf32, #tpu.memory_space<vmem>>)
      tpu.yield
    }) : () -> ()
    %get3A = arith.constant 0 : index
    %get3A_3 = tpu.vector_load %arg28[%get3A] {strides = array<i32>} : memref<16xf32, #tpu.memory_space<vmem>>, vector<16xf32>,
    %get3A_4 = arith.constant 0 : index
    %get3A_5 = tpu.vector_load %arg29[%get3A_4] {strides = array<i32>} : memref<16xf32, #tpu.memory_space<vmem>>, vector<16xf32>,
    %mul3A_6 = arith.mulf %get3A_3, %get3A_3 : vector<16xf32>
    %mul3A_7 = arith.mulf %get3A_5, %get3A_5 : vector<16xf32>
    %mul3A_8 = arith.constant 195 : i32
    %mul3A_9 = arith.muli %add3A, %mul3A_8 : i32
    %min3A = arith.constant 10 : i32
    %min3A_10 = arith.minsi %add3A, %min3A : i32
    %add3A_11 = arith.addi %mul3A_9, %min3A_10 : i32
    %lt3A = arith.constant 10 : i32
    %lt3A_12 = arith.cmpi slt, %add3A, %lt3A : i32
    %jit3A = arith.constant 1 : i32
    %jit3A_13 = arith.constant 0 : i32
    %select_n3A = arith.select %lt3A_12, %jit3A, %jit3A_13 : i32
    %add3A_14 = arith.constant 195 : i32
    %add3A_15 = arith.addi %add3A_14, %select_n3A : i32
    %sub3A = arith.constant 1 : i32
    %sub3A_16 = arith.subi %add3A_15, %sub3A : i32
    %min3A_17 = arith.constant 0 : i32
    %min3A_18 = arith.minsi %min3A_17, %sub3A_16 : i32
    %add3A_19 = arith.addi %add3A_11, %min3A_18 : i32
    %mul3A_20 = arith.constant 1024 : i32
    %mul3A_21 = arith.muli %add3A_19, %mul3A_20 : i32
    %dma_start3A = tpu.memref_slice %arg3[%mul3A_21] : memref<6400000xi32, #tpu.memory_space<hbm>> -> memref<1024xi32, #tpu.memory_space<hbm>>
    %dma_start3A_22 = tpu.memref_slice %arg3[%mul3A_21] : memref<6400000xi32, #tpu.memory_space<hbm>> -> memref<1024xi32, #tpu.memory_space<hbm>>
    tpu.enqueue_dma source(%dma_start3A_22 : memref<1024xi32, #tpu.memory_space<hbm>>) target(%arg8 : memref<1024xi32, #tpu.memory_space<vmem>>) target_semaphore(%arg31 : memref<!tpu.dma_semaphore, #tpu.memory_space<semaphore_mem>>)
    %dma_start3A_23 = tpu.memref_slice %arg4[%mul3A_21] : memref<6400000xi32, #tpu.memory_space<hbm>> -> memref<1024xi32, #tpu.memory_space<hbm>>
    %dma_start3A_24 = tpu.memref_slice %arg4[%mul3A_21] : memref<6400000xi32, #tpu.memory_space<hbm>> -> memref<1024xi32, #tpu.memory_space<hbm>>
    tpu.enqueue_dma source(%dma_start3A_24 : memref<1024xi32, #tpu.memory_space<hbm>>) target(%arg12 : memref<1024xi32, #tpu.memory_space<vmem>>) target_semaphore(%arg31 : memref<!tpu.dma_semaphore, #tpu.memory_space<semaphore_mem>>)
    %min3A_25 = arith.constant 1 : i32
    %min3A_26 = arith.minsi %min3A_25, %sub3A_16 : i32
    %add3A_27 = arith.addi %add3A_11, %min3A_26 : i32
    %mul3A_28 = arith.constant 1024 : i32
    %mul3A_29 = arith.muli %add3A_27, %mul3A_28 : i32
    %dma_start3A_30 = tpu.memref_slice %arg3[%mul3A_29] : memref<6400000xi32, #tpu.memory_space<hbm>> -> memref<1024xi32, #tpu.memory_space<hbm>>
    %dma_start3A_31 = tpu.memref_slice %arg3[%mul3A_29] : memref<6400000xi32, #tpu.memory_space<hbm>> -> memref<1024xi32, #tpu.memory_space<hbm>>
    tpu.enqueue_dma source(%dma_start3A_31 : memref<1024xi32, #tpu.memory_space<hbm>>) target(%arg9 : memref<1024xi32, #tpu.memory_space<vmem>>) target_semaphore(%arg32 : memref<!tpu.dma_semaphore, #tpu.memory_space<semaphore_mem>>)
    %dma_start3A_32 = tpu.memref_slice %arg4[%mul3A_29] : memref<6400000xi32, #tpu.memory_space<hbm>> -> memref<1024xi32, #tpu.memory_space<hbm>>
    %dma_start3A_33 = tpu.memref_slice %arg4[%mul3A_29] : memref<6400000xi32, #tpu.memory_space<hbm>> -> memref<1024xi32, #tpu.memory_space<hbm>>
    tpu.enqueue_dma source(%dma_start3A_33 : memref<1024xi32, #tpu.memory_space<hbm>>) target(%arg13 : memref<1024xi32, #tpu.memory_space<vmem>>) target_semaphore(%arg32 : memref<!tpu.dma_semaphore, #tpu.memory_space<semaphore_mem>>)
    %min3A_34 = arith.constant 2 : i32
    %min3A_35 = arith.minsi %min3A_34, %sub3A_16 : i32
    %add3A_36 = arith.addi %add3A_11, %min3A_35 : i32
    %mul3A_37 = arith.constant 1024 : i32
    %mul3A_38 = arith.muli %add3A_36, %mul3A_37 : i32
    %dma_start3A_39 = tpu.memref_slice %arg3[%mul3A_38] : memref<6400000xi32, #tpu.memory_space<hbm>> -> memref<1024xi32, #tpu.memory_space<hbm>>
    %dma_start3A_40 = tpu.memref_slice %arg3[%mul3A_38] : memref<6400000xi32, #tpu.memory_space<hbm>> -> memref<1024xi32, #tpu.memory_space<hbm>>
    tpu.enqueue_dma source(%dma_start3A_40 : memref<1024xi32, #tpu.memory_space<hbm>>) target(%arg10 : memref<1024xi32, #tpu.memory_space<vmem>>) target_semaphore(%arg33 : memref<!tpu.dma_semaphore, #tpu.memory_space<semaphore_mem>>)
    %dma_start3A_41 = tpu.memref_slice %arg4[%mul3A_38] : memref<6400000xi32, #tpu.memory_space<hbm>> -> memref<1024xi32, #tpu.memory_space<hbm>>
    %dma_start3A_42 = tpu.memref_slice %arg4[%mul3A_38] : memref<6400000xi32, #tpu.memory_space<hbm>> -> memref<1024xi32, #tpu.memory_space<hbm>>
    tpu.enqueue_dma source(%dma_start3A_42 : memref<1024xi32, #tpu.memory_space<hbm>>) target(%arg14 : memref<1024xi32, #tpu.memory_space<vmem>>) target_semaphore(%arg33 : memref<!tpu.dma_semaphore, #tpu.memory_space<semaphore_mem>>)
    %min3A_43 = arith.constant 3 : i32
    %min3A_44 = arith.minsi %min3A_43, %sub3A_16 : i32
    %add3A_45 = arith.addi %add3A_11, %min3A_44 : i32
    %mul3A_46 = arith.constant 1024 : i32
    %mul3A_47 = arith.muli %add3A_45, %mul3A_46 : i32
    %dma_start3A_48 = tpu.memref_slice %arg3[%mul3A_47] : memref<6400000xi32, #tpu.memory_space<hbm>> -> memref<1024xi32, #tpu.memory_space<hbm>>
    %dma_start3A_49 = tpu.memref_slice %arg3[%mul3A_47] : memref<6400000xi32, #tpu.memory_space<hbm>> -> memref<1024xi32, #tpu.memory_space<hbm>>
    tpu.enqueue_dma source(%dma_start3A_49 : memref<1024xi32, #tpu.memory_space<hbm>>) target(%arg11 : memref<1024xi32, #tpu.memory_space<vmem>>) target_semaphore(%arg34 : memref<!tpu.dma_semaphore, #tpu.memory_space<semaphore_mem>>)
    %dma_start3A_50 = tpu.memref_slice %arg4[%mul3A_47] : memref<6400000xi32, #tpu.memory_space<hbm>> -> memref<1024xi32, #tpu.memory_space<hbm>>
    %dma_start3A_51 = tpu.memref_slice %arg4[%mul3A_47] : memref<6400000xi32, #tpu.memory_space<hbm>> -> memref<1024xi32, #tpu.memory_space<hbm>>
    tpu.enqueue_dma source(%dma_start3A_51 : memref<1024xi32, #tpu.memory_space<hbm>>) target(%arg15 : memref<1024xi32, #tpu.memory_space<vmem>>) target_semaphore(%arg34 : memref<!tpu.dma_semaphore, #tpu.memory_space<semaphore_mem>>)
    %dma_wait3A = arith.constant 0 : i32
    %dma_wait3A_52 = tpu.memref_slice %arg3[%dma_wait3A] : memref<6400000xi32, #tpu.memory_space<hbm>> -> memref<1024xi32, #tpu.memory_space<hbm>>
    %dma_wait3A_53 = arith.constant 0 : i32
    %dma_wait3A_54 = tpu.memref_slice %arg3[%dma_wait3A_53] : memref<6400000xi32, #tpu.memory_space<hbm>> -> memref<1024xi32, #tpu.memory_space<hbm>>
    tpu.wait_dma2 semaphore(%arg31 : memref<!tpu.dma_semaphore, #tpu.memory_space<semaphore_mem>>) src(%dma_wait3A_54 : memref<1024xi32, #tpu.memory_space<hbm>>) dst(%arg8 : memref<1024xi32, #tpu.memory_space<vmem>>)
    %dma_wait3A_55 = arith.constant 0 : i32
    %dma_wait3A_56 = tpu.memref_slice %arg4[%dma_wait3A_55] : memref<6400000xi32, #tpu.memory_space<hbm>> -> memref<1024xi32, #tpu.memory_space<hbm>>
    %dma_wait3A_57 = arith.constant 0 : i32
    %dma_wait3A_58 = tpu.memref_slice %arg4[%dma_wait3A_57] : memref<6400000xi32, #tpu.memory_space<hbm>> -> memref<1024xi32, #tpu.memory_space<hbm>>
    tpu.wait_dma2 semaphore(%arg31 : memref<!tpu.dma_semaphore, #tpu.memory_space<semaphore_mem>>) src(%dma_wait3A_58 : memref<1024xi32, #tpu.memory_space<hbm>>) dst(%arg12 : memref<1024xi32, #tpu.memory_space<vmem>>)
    %dma_start3A_59 = arith.constant 0 : i32
    %dma_start3A_60 = arith.constant 0 : i32
    %dma_start3A_61 = tpu.memref_slice %arg30[%dma_start3A_59, %dma_start3A_60] : memref<100000x8xf32, #tpu.memory_space<vmem_shared>> -> memref<100000x8xf32, #tpu.memory_space<vmem_shared>>
    tpu.enqueue_indirect_dma source(%dma_start3A_61 : memref<100000x8xf32, #tpu.memory_space<vmem_shared>>) target(%arg16 : memref<1024x8xf32, #tpu.memory_space<vmem>>) offsets(%arg8 : memref<1024xi32, #tpu.memory_space<vmem>>) semaphore(%arg35 : memref<!tpu.dma_semaphore, #tpu.memory_space<semaphore_mem>>)
    %dma_start3A_62 = arith.constant 0 : i32
    %dma_start3A_63 = arith.constant 0 : i32
    %dma_start3A_64 = tpu.memref_slice %arg30[%dma_start3A_62, %dma_start3A_63] : memref<100000x8xf32, #tpu.memory_space<vmem_shared>> -> memref<100000x8xf32, #tpu.memory_space<vmem_shared>>
    tpu.enqueue_indirect_dma source(%dma_start3A_64 : memref<100000x8xf32, #tpu.memory_space<vmem_shared>>) target(%arg20 : memref<1024x8xf32, #tpu.memory_space<vmem>>) offsets(%arg12 : memref<1024xi32, #tpu.memory_space<vmem>>) semaphore(%arg35 : memref<!tpu.dma_semaphore, #tpu.memory_space<semaphore_mem>>)
    %dma_wait3A_65 = arith.constant 0 : i32
    %dma_wait3A_66 = tpu.memref_slice %arg3[%dma_wait3A_65] : memref<6400000xi32, #tpu.memory_space<hbm>> -> memref<1024xi32, #tpu.memory_space<hbm>>
    %dma_wait3A_67 = arith.constant 0 : i32
    %dma_wait3A_68 = tpu.memref_slice %arg3[%dma_wait3A_67] : memref<6400000xi32, #tpu.memory_space<hbm>> -> memref<1024xi32, #tpu.memory_space<hbm>>
    tpu.wait_dma2 semaphore(%arg32 : memref<!tpu.dma_semaphore, #tpu.memory_space<semaphore_mem>>) src(%dma_wait3A_68 : memref<1024xi32, #tpu.memory_space<hbm>>) dst(%arg9 : memref<1024xi32, #tpu.memory_space<vmem>>)
    %dma_wait3A_69 = arith.constant 0 : i32
    %dma_wait3A_70 = tpu.memref_slice %arg4[%dma_wait3A_69] : memref<6400000xi32, #tpu.memory_space<hbm>> -> memref<1024xi32, #tpu.memory_space<hbm>>
    %dma_wait3A_71 = arith.constant 0 : i32
    %dma_wait3A_72 = tpu.memref_slice %arg4[%dma_wait3A_71] : memref<6400000xi32, #tpu.memory_space<hbm>> -> memref<1024xi32, #tpu.memory_space<hbm>>
    tpu.wait_dma2 semaphore(%arg32 : memref<!tpu.dma_semaphore, #tpu.memory_space<semaphore_mem>>) src(%dma_wait3A_72 : memref<1024xi32, #tpu.memory_space<hbm>>) dst(%arg13 : memref<1024xi32, #tpu.memory_space<vmem>>)
    %dma_start3A_73 = arith.constant 0 : i32
    %dma_start3A_74 = arith.constant 0 : i32
    %dma_start3A_75 = tpu.memref_slice %arg30[%dma_start3A_73, %dma_start3A_74] : memref<100000x8xf32, #tpu.memory_space<vmem_shared>> -> memref<100000x8xf32, #tpu.memory_space<vmem_shared>>
    tpu.enqueue_indirect_dma source(%dma_start3A_75 : memref<100000x8xf32, #tpu.memory_space<vmem_shared>>) target(%arg17 : memref<1024x8xf32, #tpu.memory_space<vmem>>) offsets(%arg9 : memref<1024xi32, #tpu.memory_space<vmem>>) semaphore(%arg36 : memref<!tpu.dma_semaphore, #tpu.memory_space<semaphore_mem>>)
    %dma_start3A_76 = arith.constant 0 : i32
    %dma_start3A_77 = arith.constant 0 : i32
    %dma_start3A_78 = tpu.memref_slice %arg30[%dma_start3A_76, %dma_start3A_77] : memref<100000x8xf32, #tpu.memory_space<vmem_shared>> -> memref<100000x8xf32, #tpu.memory_space<vmem_shared>>
    tpu.enqueue_indirect_dma source(%dma_start3A_78 : memref<100000x8xf32, #tpu.memory_space<vmem_shared>>) target(%arg21 : memref<1024x8xf32, #tpu.memory_space<vmem>>) offsets(%arg13 : memref<1024xi32, #tpu.memory_space<vmem>>) semaphore(%arg36 : memref<!tpu.dma_semaphore, #tpu.memory_space<semaphore_mem>>)
    %scan3A = arith.constant 0 : i32
    %scan3A_79 = arith.constant 0 : i32
    %scan3A_80 = arith.constant 49 : i32
    %scan3A_81 = arith.addi %scan3A_79, %scan3A_80 : i32
    %scan3A_82 = arith.constant 1 : i32
    scf.for %scan3A_128 = %scan3A_79 to %scan3A_81 step %scan3A_82  : i32 {
      %mul3A_129 = arith.constant 4 : i32
      %mul3A_130 = arith.muli %mul3A_129, %scan3A_128 : i32
      %add3A_131 = arith.constant 0 : i32
      %add3A_132 = arith.addi %mul3A_130, %add3A_131 : i32
      %dma_wait3A_133 = arith.constant 0 : i32
      %dma_wait3A_134 = arith.constant 0 : i32
      %dma_wait3A_135 = tpu.memref_slice %arg30[%dma_wait3A_133, %dma_wait3A_134] : memref<100000x8xf32, #tpu.memory_space<vmem_shared>> -> memref<100000x8xf32, #tpu.memory_space<vmem_shared>>
      tpu.wait_indirect_dma semaphore(%arg35 : memref<!tpu.dma_semaphore, #tpu.memory_space<semaphore_mem>>) src(%dma_wait3A_135 : memref<100000x8xf32, #tpu.memory_space<vmem_shared>>) dst(%arg16 : memref<1024x8xf32, #tpu.memory_space<vmem>>)
      %dma_wait3A_136 = arith.constant 0 : i32
      %dma_wait3A_137 = arith.constant 0 : i32
      %dma_wait3A_138 = tpu.memref_slice %arg30[%dma_wait3A_136, %dma_wait3A_137] : memref<100000x8xf32, #tpu.memory_space<vmem_shared>> -> memref<100000x8xf32, #tpu.memory_space<vmem_shared>>
      tpu.wait_indirect_dma semaphore(%arg35 : memref<!tpu.dma_semaphore, #tpu.memory_space<semaphore_mem>>) src(%dma_wait3A_138 : memref<100000x8xf32, #tpu.memory_space<vmem_shared>>) dst(%arg20 : memref<1024x8xf32, #tpu.memory_space<vmem>>)
      %gt3A = arith.constant 0 : i32
      %gt3A_139 = arith.cmpi sgt, %scan3A_128, %gt3A : i32
      %convert_element_type3A_140 = arith.extui %gt3A_139 : i1 to i32
      %cond3A_141 = arith.constant 0 : i32
      %cond3A_142 = arith.cmpi ne, %convert_element_type3A_140, %cond3A_141 : i32
      scf.if %cond3A_142 {
        %dma_wait3A_332 = arith.constant 0 : i32
        %dma_wait3A_333 = tpu.memref_slice %arg7[%dma_wait3A_332] : memref<6400000xf32, #tpu.memory_space<hbm>> -> memref<1024xf32, #tpu.memory_space<hbm>>
        %dma_wait3A_334 = arith.constant 0 : i32
        %dma_wait3A_335 = tpu.memref_slice %arg7[%dma_wait3A_334] : memref<6400000xf32, #tpu.memory_space<hbm>> -> memref<1024xf32, #tpu.memory_space<hbm>>
        tpu.wait_dma2 semaphore(%arg39 : memref<!tpu.dma_semaphore, #tpu.memory_space<semaphore_mem>>) src(%arg24 : memref<1024xf32, #tpu.memory_space<vmem>>) dst(%dma_wait3A_335 : memref<1024xf32, #tpu.memory_space<hbm>>)
      } else {
      }
      %scan3A_143 = arith.constant 0 : i32
      %scan3A_144 = arith.constant 0 : i32
      %scan3A_145 = arith.constant 64 : i32
      %scan3A_146 = arith.addi %scan3A_144, %scan3A_145 : i32
      %scan3A_147 = arith.constant 1 : i32
      scf.for %scan3A_332 = %scan3A_144 to %scan3A_146 step %scan3A_147  : i32 {
        %mul3A_333 = arith.constant 16 : i32
        %mul3A_334 = arith.muli %scan3A_332, %mul3A_333 : i32
        %iota3A = tpu.iota {dimensions = array<i32: 0>} : vector<16xi32>
        %add3A_335 = vector.broadcast %mul3A_334 : i32 to vector<16xi32>
        %add3A_336 = arith.addi %add3A_335, %iota3A : vector<16xi32>
        %broadcast_in_dim3A = arith.constant 0 : i32
        %broadcast_in_dim3A_337 = vector.broadcast %broadcast_in_dim3A : i32 to vector<16xi32>
        %gather3A = tpu.vector_load_idx %arg16[%add3A_336, %broadcast_in_dim3A_337] : memref<1024x8xf32, #tpu.memory_space<vmem>>[vector<16xi32>, vector<16xi32>], vector<16xf32>,
        %broadcast_in_dim3A_338 = arith.constant 0 : i32
        %broadcast_in_dim3A_339 = vector.broadcast %broadcast_in_dim3A_338 : i32 to vector<16xi32>
        %gather3A_340 = tpu.vector_load_idx %arg20[%add3A_336, %broadcast_in_dim3A_339] : memref<1024x8xf32, #tpu.memory_space<vmem>>[vector<16xi32>, vector<16xi32>], vector<16xf32>,
        %sub3A_341 = arith.subf %gather3A, %gather3A_340 : vector<16xf32>
        %broadcast_in_dim3A_342 = arith.constant 1 : i32
        %broadcast_in_dim3A_343 = vector.broadcast %broadcast_in_dim3A_342 : i32 to vector<16xi32>
        %gather3A_344 = tpu.vector_load_idx %arg16[%add3A_336, %broadcast_in_dim3A_343] : memref<1024x8xf32, #tpu.memory_space<vmem>>[vector<16xi32>, vector<16xi32>], vector<16xf32>,
        %broadcast_in_dim3A_345 = arith.constant 1 : i32
        %broadcast_in_dim3A_346 = vector.broadcast %broadcast_in_dim3A_345 : i32 to vector<16xi32>
        %gather3A_347 = tpu.vector_load_idx %arg20[%add3A_336, %broadcast_in_dim3A_346] : memref<1024x8xf32, #tpu.memory_space<vmem>>[vector<16xi32>, vector<16xi32>], vector<16xf32>,
        %sub3A_348 = arith.subf %gather3A_344, %gather3A_347 : vector<16xf32>
        %broadcast_in_dim3A_349 = arith.constant 2 : i32
        %broadcast_in_dim3A_350 = vector.broadcast %broadcast_in_dim3A_349 : i32 to vector<16xi32>
        %gather3A_351 = tpu.vector_load_idx %arg16[%add3A_336, %broadcast_in_dim3A_350] : memref<1024x8xf32, #tpu.memory_space<vmem>>[vector<16xi32>, vector<16xi32>], vector<16xf32>,
        %broadcast_in_dim3A_352 = arith.constant 2 : i32
        %broadcast_in_dim3A_353 = vector.broadcast %broadcast_in_dim3A_352 : i32 to vector<16xi32>
        %gather3A_354 = tpu.vector_load_idx %arg20[%add3A_336, %broadcast_in_dim3A_353] : memref<1024x8xf32, #tpu.memory_space<vmem>>[vector<16xi32>, vector<16xi32>], vector<16xf32>,
        %sub3A_355 = arith.subf %gather3A_351, %gather3A_354 : vector<16xf32>
        %mul3A_356 = arith.mulf %sub3A_341, %sub3A_341 : vector<16xf32>
        %mul3A_357 = arith.mulf %sub3A_348, %sub3A_348 : vector<16xf32>
        %add3A_358 = arith.addf %mul3A_356, %mul3A_357 : vector<16xf32>
        %mul3A_359 = arith.mulf %sub3A_355, %sub3A_355 : vector<16xf32>
        %add3A_360 = arith.addf %add3A_358, %mul3A_359 : vector<16xf32>
        %broadcast_in_dim3A_361 = arith.constant 3 : i32
        %broadcast_in_dim3A_362 = vector.broadcast %broadcast_in_dim3A_361 : i32 to vector<16xi32>
        %gather3A_363 = tpu.vector_load_idx %arg16[%add3A_336, %broadcast_in_dim3A_362] : memref<1024x8xf32, #tpu.memory_space<vmem>>[vector<16xi32>, vector<16xi32>], vector<16xf32>,
        %broadcast_in_dim3A_364 = arith.constant 3 : i32
        %broadcast_in_dim3A_365 = vector.broadcast %broadcast_in_dim3A_364 : i32 to vector<16xi32>
        %gather3A_366 = tpu.vector_load_idx %arg20[%add3A_336, %broadcast_in_dim3A_365] : memref<1024x8xf32, #tpu.memory_space<vmem>>[vector<16xi32>, vector<16xi32>], vector<16xf32>,
        %mul3A_367 = arith.mulf %gather3A_363, %gather3A_366 : vector<16xf32>
        %broadcast_in_dim3A_368 = arith.constant 4 : i32
        %broadcast_in_dim3A_369 = vector.broadcast %broadcast_in_dim3A_368 : i32 to vector<16xi32>
        %gather3A_370 = tpu.vector_load_idx %arg16[%add3A_336, %broadcast_in_dim3A_369] : memref<1024x8xf32, #tpu.memory_space<vmem>>[vector<16xi32>, vector<16xi32>], vector<16xf32>,
        %broadcast_in_dim3A_371 = arith.constant 4 : i32
        %broadcast_in_dim3A_372 = vector.broadcast %broadcast_in_dim3A_371 : i32 to vector<16xi32>
        %gather3A_373 = tpu.vector_load_idx %arg20[%add3A_336, %broadcast_in_dim3A_372] : memref<1024x8xf32, #tpu.memory_space<vmem>>[vector<16xi32>, vector<16xi32>], vector<16xf32>,
        %mul3A_374 = arith.mulf %gather3A_370, %gather3A_373 : vector<16xf32>
        %add3A_375 = arith.addf %mul3A_367, %mul3A_374 : vector<16xf32>
        %broadcast_in_dim3A_376 = arith.constant 5 : i32
        %broadcast_in_dim3A_377 = vector.broadcast %broadcast_in_dim3A_376 : i32 to vector<16xi32>
        %gather3A_378 = tpu.vector_load_idx %arg16[%add3A_336, %broadcast_in_dim3A_377] : memref<1024x8xf32, #tpu.memory_space<vmem>>[vector<16xi32>, vector<16xi32>], vector<16xf32>,
        %broadcast_in_dim3A_379 = arith.constant 5 : i32
        %broadcast_in_dim3A_380 = vector.broadcast %broadcast_in_dim3A_379 : i32 to vector<16xi32>
        %gather3A_381 = tpu.vector_load_idx %arg20[%add3A_336, %broadcast_in_dim3A_380] : memref<1024x8xf32, #tpu.memory_space<vmem>>[vector<16xi32>, vector<16xi32>], vector<16xf32>,
        %mul3A_382 = arith.mulf %gather3A_378, %gather3A_381 : vector<16xf32>
        %add3A_383 = arith.addf %add3A_375, %mul3A_382 : vector<16xf32>
        %sub3A_384 = arith.constant 1.000000e+00 : f32
        %sub3A_385 = vector.broadcast %sub3A_384 : f32 to vector<16xf32>
        %sub3A_386 = arith.subf %sub3A_385, %add3A_383 : vector<16xf32>
        %mul3A_387 = arith.mulf %sub3A_386, %sub3A_386 : vector<16xf32>
        %mul3A_388 = arith.mulf %add3A_360, %mul3A_6 : vector<16xf32>
        %mul3A_389 = arith.mulf %mul3A_387, %mul3A_7 : vector<16xf32>
        %add3A_390 = arith.addf %mul3A_388, %mul3A_389 : vector<16xf32>
        %neg3A = arith.constant 0.000000e+00 : f32
        %neg3A_391 = vector.broadcast %neg3A : f32 to vector<16xf32>
        %neg3A_392 = arith.subf %neg3A_391, %add3A_390 : vector<16xf32>
        %exp3A = math.exp %neg3A_392 : vector<16xf32>
        %mul3A_393 = arith.constant 16 : i32
        %mul3A_394 = arith.muli %scan3A_332, %mul3A_393 : i32
        %swap3A = arith.index_cast %mul3A_394 : i32 to index
        %swap3A_395 = tpu.vector_load %arg24[%swap3A] {strides = array<i32>} : memref<1024xf32, #tpu.memory_space<vmem>>, vector<16xf32>,
        tpu.vector_store %arg24[%swap3A], %exp3A {strides = array<i32>} : memref<1024xf32, #tpu.memory_space<vmem>>, vector<16xf32>,
      }
      %scan3A_148 = arith.constant 64 : i32
      %min3A_149 = arith.minsi %add3A_132, %sub3A_16 : i32
      %add3A_150 = arith.addi %add3A_11, %min3A_149 : i32
      %mul3A_151 = arith.constant 1024 : i32
      %mul3A_152 = arith.muli %add3A_150, %mul3A_151 : i32
      %dma_start3A_153 = tpu.memref_slice %arg7[%mul3A_152] : memref<6400000xf32, #tpu.memory_space<hbm>> -> memref<1024xf32, #tpu.memory_space<hbm>>
      %dma_start3A_154 = tpu.memref_slice %arg7[%mul3A_152] : memref<6400000xf32, #tpu.memory_space<hbm>> -> memref<1024xf32, #tpu.memory_space<hbm>>
      tpu.enqueue_dma source(%arg24 : memref<1024xf32, #tpu.memory_space<vmem>>) target(%dma_start3A_154 : memref<1024xf32, #tpu.memory_space<hbm>>) target_semaphore(%arg39 : memref<!tpu.dma_semaphore, #tpu.memory_space<semaphore_mem>>)
      %add3A_155 = arith.constant 4 : i32
      %add3A_156 = arith.addi %add3A_132, %add3A_155 : i32
      %min3A_157 = arith.minsi %add3A_156, %sub3A_16 : i32
      %add3A_158 = arith.addi %add3A_11, %min3A_157 : i32
      %mul3A_159 = arith.constant 1024 : i32
      %mul3A_160 = arith.muli %add3A_158, %mul3A_159 : i32
      %dma_start3A_161 = tpu.memref_slice %arg3[%mul3A_160] : memref<6400000xi32, #tpu.memory_space<hbm>> -> memref<1024xi32, #tpu.memory_space<hbm>>
      %dma_start3A_162 = tpu.memref_slice %arg3[%mul3A_160] : memref<6400000xi32, #tpu.memory_space<hbm>> -> memref<1024xi32, #tpu.memory_space<hbm>>
      tpu.enqueue_dma source(%dma_start3A_162 : memref<1024xi32, #tpu.memory_space<hbm>>) target(%arg8 : memref<1024xi32, #tpu.memory_space<vmem>>) target_semaphore(%arg31 : memref<!tpu.dma_semaphore, #tpu.memory_space<semaphore_mem>>)
      %dma_start3A_163 = tpu.memref_slice %arg4[%mul3A_160] : memref<6400000xi32, #tpu.memory_space<hbm>> -> memref<1024xi32, #tpu.memory_space<hbm>>
      %dma_start3A_164 = tpu.memref_slice %arg4[%mul3A_160] : memref<6400000xi32, #tpu.memory_space<hbm>> -> memref<1024xi32, #tpu.memory_space<hbm>>
      tpu.enqueue_dma source(%dma_start3A_164 : memref<1024xi32, #tpu.memory_space<hbm>>) target(%arg12 : memref<1024xi32, #tpu.memory_space<vmem>>) target_semaphore(%arg31 : memref<!tpu.dma_semaphore, #tpu.memory_space<semaphore_mem>>)
      %dma_wait3A_165 = arith.constant 0 : i32
      %dma_wait3A_166 = tpu.memref_slice %arg3[%dma_wait3A_165] : memref<6400000xi32, #tpu.memory_space<hbm>> -> memref<1024xi32, #tpu.memory_space<hbm>>
      %dma_wait3A_167 = arith.constant 0 : i32
      %dma_wait3A_168 = tpu.memref_slice %arg3[%dma_wait3A_167] : memref<6400000xi32, #tpu.memory_space<hbm>> -> memref<1024xi32, #tpu.memory_space<hbm>>
      tpu.wait_dma2 semaphore(%arg33 : memref<!tpu.dma_semaphore, #tpu.memory_space<semaphore_mem>>) src(%dma_wait3A_168 : memref<1024xi32, #tpu.memory_space<hbm>>) dst(%arg10 : memref<1024xi32, #tpu.memory_space<vmem>>)
      %dma_wait3A_169 = arith.constant 0 : i32
      %dma_wait3A_170 = tpu.memref_slice %arg4[%dma_wait3A_169] : memref<6400000xi32, #tpu.memory_space<hbm>> -> memref<1024xi32, #tpu.memory_space<hbm>>
      %dma_wait3A_171 = arith.constant 0 : i32
      %dma_wait3A_172 = tpu.memref_slice %arg4[%dma_wait3A_171] : memref<6400000xi32, #tpu.memory_space<hbm>> -> memref<1024xi32, #tpu.memory_space<hbm>>
      tpu.wait_dma2 semaphore(%arg33 : memref<!tpu.dma_semaphore, #tpu.memory_space<semaphore_mem>>) src(%dma_wait3A_172 : memref<1024xi32, #tpu.memory_space<hbm>>) dst(%arg14 : memref<1024xi32, #tpu.memory_space<vmem>>)
      %dma_start3A_173 = arith.constant 0 : i32
      %dma_start3A_174 = arith.constant 0 : i32
      %dma_start3A_175 = tpu.memref_slice %arg30[%dma_start3A_173, %dma_start3A_174] : memref<100000x8xf32, #tpu.memory_space<vmem_shared>> -> memref<100000x8xf32, #tpu.memory_space<vmem_shared>>
      tpu.enqueue_indirect_dma source(%dma_start3A_175 : memref<100000x8xf32, #tpu.memory_space<vmem_shared>>) target(%arg18 : memref<1024x8xf32, #tpu.memory_space<vmem>>) offsets(%arg10 : memref<1024xi32, #tpu.memory_space<vmem>>) semaphore(%arg37 : memref<!tpu.dma_semaphore, #tpu.memory_space<semaphore_mem>>)
      %dma_start3A_176 = arith.constant 0 : i32
      %dma_start3A_177 = arith.constant 0 : i32
      %dma_start3A_178 = tpu.memref_slice %arg30[%dma_start3A_176, %dma_start3A_177] : memref<100000x8xf32, #tpu.memory_space<vmem_shared>> -> memref<100000x8xf32, #tpu.memory_space<vmem_shared>>
      tpu.enqueue_indirect_dma source(%dma_start3A_178 : memref<100000x8xf32, #tpu.memory_space<vmem_shared>>) target(%arg22 : memref<1024x8xf32, #tpu.memory_space<vmem>>) offsets(%arg14 : memref<1024xi32, #tpu.memory_space<vmem>>) semaphore(%arg37 : memref<!tpu.dma_semaphore, #tpu.memory_space<semaphore_mem>>)
      %mul3A_179 = arith.constant 4 : i32
      %mul3A_180 = arith.muli %mul3A_179, %scan3A_128 : i32
      %add3A_181 = arith.constant 1 : i32
      %add3A_182 = arith.addi %mul3A_180, %add3A_181 : i32
      %dma_wait3A_183 = arith.constant 0 : i32
      %dma_wait3A_184 = arith.constant 0 : i32
      %dma_wait3A_185 = tpu.memref_slice %arg30[%dma_wait3A_183, %dma_wait3A_184] : memref<100000x8xf32, #tpu.memory_space<vmem_shared>> -> memref<100000x8xf32, #tpu.memory_space<vmem_shared>>
      tpu.wait_indirect_dma semaphore(%arg36 : memref<!tpu.dma_semaphore, #tpu.memory_space<semaphore_mem>>) src(%dma_wait3A_185 : memref<100000x8xf32, #tpu.memory_space<vmem_shared>>) dst(%arg17 : memref<1024x8xf32, #tpu.memory_space<vmem>>)
      %dma_wait3A_186 = arith.constant 0 : i32
      %dma_wait3A_187 = arith.constant 0 : i32
      %dma_wait3A_188 = tpu.memref_slice %arg30[%dma_wait3A_186, %dma_wait3A_187] : memref<100000x8xf32, #tpu.memory_space<vmem_shared>> -> memref<100000x8xf32, #tpu.memory_space<vmem_shared>>
      tpu.wait_indirect_dma semaphore(%arg36 : memref<!tpu.dma_semaphore, #tpu.memory_space<semaphore_mem>>) src(%dma_wait3A_188 : memref<100000x8xf32, #tpu.memory_space<vmem_shared>>) dst(%arg21 : memref<1024x8xf32, #tpu.memory_space<vmem>>)
      %gt3A_189 = arith.constant 0 : i32
      %gt3A_190 = arith.cmpi sgt, %scan3A_128, %gt3A_189 : i32
      %convert_element_type3A_191 = arith.extui %gt3A_190 : i1 to i32
      %cond3A_192 = arith.constant 0 : i32
      %cond3A_193 = arith.cmpi ne, %convert_element_type3A_191, %cond3A_192 : i32
      scf.if %cond3A_193 {
        %dma_wait3A_332 = arith.constant 0 : i32
        %dma_wait3A_333 = tpu.memref_slice %arg7[%dma_wait3A_332] : memref<6400000xf32, #tpu.memory_space<hbm>> -> memref<1024xf32, #tpu.memory_space<hbm>>
        %dma_wait3A_334 = arith.constant 0 : i32
        %dma_wait3A_335 = tpu.memref_slice %arg7[%dma_wait3A_334] : memref<6400000xf32, #tpu.memory_space<hbm>> -> memref<1024xf32, #tpu.memory_space<hbm>>
        tpu.wait_dma2 semaphore(%arg40 : memref<!tpu.dma_semaphore, #tpu.memory_space<semaphore_mem>>) src(%arg25 : memref<1024xf32, #tpu.memory_space<vmem>>) dst(%dma_wait3A_335 : memref<1024xf32, #tpu.memory_space<hbm>>)
      } else {
      }
      %scan3A_194 = arith.constant 0 : i32
      %scan3A_195 = arith.constant 0 : i32
      %scan3A_196 = arith.constant 64 : i32
      %scan3A_197 = arith.addi %scan3A_195, %scan3A_196 : i32
      %scan3A_198 = arith.constant 1 : i32
      scf.for %scan3A_332 = %scan3A_195 to %scan3A_197 step %scan3A_198  : i32 {
        %mul3A_333 = arith.constant 16 : i32
        %mul3A_334 = arith.muli %scan3A_332, %mul3A_333 : i32
        %iota3A = tpu.iota {dimensions = array<i32: 0>} : vector<16xi32>
        %add3A_335 = vector.broadcast %mul3A_334 : i32 to vector<16xi32>
        %add3A_336 = arith.addi %add3A_335, %iota3A : vector<16xi32>
        %broadcast_in_dim3A = arith.constant 0 : i32
        %broadcast_in_dim3A_337 = vector.broadcast %broadcast_in_dim3A : i32 to vector<16xi32>
        %gather3A = tpu.vector_load_idx %arg17[%add3A_336, %broadcast_in_dim3A_337] : memref<1024x8xf32, #tpu.memory_space<vmem>>[vector<16xi32>, vector<16xi32>], vector<16xf32>,
        %broadcast_in_dim3A_338 = arith.constant 0 : i32
        %broadcast_in_dim3A_339 = vector.broadcast %broadcast_in_dim3A_338 : i32 to vector<16xi32>
        %gather3A_340 = tpu.vector_load_idx %arg21[%add3A_336, %broadcast_in_dim3A_339] : memref<1024x8xf32, #tpu.memory_space<vmem>>[vector<16xi32>, vector<16xi32>], vector<16xf32>,
        %sub3A_341 = arith.subf %gather3A, %gather3A_340 : vector<16xf32>
        %broadcast_in_dim3A_342 = arith.constant 1 : i32
        %broadcast_in_dim3A_343 = vector.broadcast %broadcast_in_dim3A_342 : i32 to vector<16xi32>
        %gather3A_344 = tpu.vector_load_idx %arg17[%add3A_336, %broadcast_in_dim3A_343] : memref<1024x8xf32, #tpu.memory_space<vmem>>[vector<16xi32>, vector<16xi32>], vector<16xf32>,
        %broadcast_in_dim3A_345 = arith.constant 1 : i32
        %broadcast_in_dim3A_346 = vector.broadcast %broadcast_in_dim3A_345 : i32 to vector<16xi32>
        %gather3A_347 = tpu.vector_load_idx %arg21[%add3A_336, %broadcast_in_dim3A_346] : memref<1024x8xf32, #tpu.memory_space<vmem>>[vector<16xi32>, vector<16xi32>], vector<16xf32>,
        %sub3A_348 = arith.subf %gather3A_344, %gather3A_347 : vector<16xf32>
        %broadcast_in_dim3A_349 = arith.constant 2 : i32
        %broadcast_in_dim3A_350 = vector.broadcast %broadcast_in_dim3A_349 : i32 to vector<16xi32>
        %gather3A_351 = tpu.vector_load_idx %arg17[%add3A_336, %broadcast_in_dim3A_350] : memref<1024x8xf32, #tpu.memory_space<vmem>>[vector<16xi32>, vector<16xi32>], vector<16xf32>,
        %broadcast_in_dim3A_352 = arith.constant 2 : i32
        %broadcast_in_dim3A_353 = vector.broadcast %broadcast_in_dim3A_352 : i32 to vector<16xi32>
        %gather3A_354 = tpu.vector_load_idx %arg21[%add3A_336, %broadcast_in_dim3A_353] : memref<1024x8xf32, #tpu.memory_space<vmem>>[vector<16xi32>, vector<16xi32>], vector<16xf32>,
        %sub3A_355 = arith.subf %gather3A_351, %gather3A_354 : vector<16xf32>
        %mul3A_356 = arith.mulf %sub3A_341, %sub3A_341 : vector<16xf32>
        %mul3A_357 = arith.mulf %sub3A_348, %sub3A_348 : vector<16xf32>
        %add3A_358 = arith.addf %mul3A_356, %mul3A_357 : vector<16xf32>
        %mul3A_359 = arith.mulf %sub3A_355, %sub3A_355 : vector<16xf32>
        %add3A_360 = arith.addf %add3A_358, %mul3A_359 : vector<16xf32>
        %broadcast_in_dim3A_361 = arith.constant 3 : i32
        %broadcast_in_dim3A_362 = vector.broadcast %broadcast_in_dim3A_361 : i32 to vector<16xi32>
        %gather3A_363 = tpu.vector_load_idx %arg17[%add3A_336, %broadcast_in_dim3A_362] : memref<1024x8xf32, #tpu.memory_space<vmem>>[vector<16xi32>, vector<16xi32>], vector<16xf32>,
        %broadcast_in_dim3A_364 = arith.constant 3 : i32
        %broadcast_in_dim3A_365 = vector.broadcast %broadcast_in_dim3A_364 : i32 to vector<16xi32>
        %gather3A_366 = tpu.vector_load_idx %arg21[%add3A_336, %broadcast_in_dim3A_365] : memref<1024x8xf32, #tpu.memory_space<vmem>>[vector<16xi32>, vector<16xi32>], vector<16xf32>,
        %mul3A_367 = arith.mulf %gather3A_363, %gather3A_366 : vector<16xf32>
        %broadcast_in_dim3A_368 = arith.constant 4 : i32
        %broadcast_in_dim3A_369 = vector.broadcast %broadcast_in_dim3A_368 : i32 to vector<16xi32>
        %gather3A_370 = tpu.vector_load_idx %arg17[%add3A_336, %broadcast_in_dim3A_369] : memref<1024x8xf32, #tpu.memory_space<vmem>>[vector<16xi32>, vector<16xi32>], vector<16xf32>,
        %broadcast_in_dim3A_371 = arith.constant 4 : i32
        %broadcast_in_dim3A_372 = vector.broadcast %broadcast_in_dim3A_371 : i32 to vector<16xi32>
        %gather3A_373 = tpu.vector_load_idx %arg21[%add3A_336, %broadcast_in_dim3A_372] : memref<1024x8xf32, #tpu.memory_space<vmem>>[vector<16xi32>, vector<16xi32>], vector<16xf32>,
        %mul3A_374 = arith.mulf %gather3A_370, %gather3A_373 : vector<16xf32>
        %add3A_375 = arith.addf %mul3A_367, %mul3A_374 : vector<16xf32>
        %broadcast_in_dim3A_376 = arith.constant 5 : i32
        %broadcast_in_dim3A_377 = vector.broadcast %broadcast_in_dim3A_376 : i32 to vector<16xi32>
        %gather3A_378 = tpu.vector_load_idx %arg17[%add3A_336, %broadcast_in_dim3A_377] : memref<1024x8xf32, #tpu.memory_space<vmem>>[vector<16xi32>, vector<16xi32>], vector<16xf32>,
        %broadcast_in_dim3A_379 = arith.constant 5 : i32
        %broadcast_in_dim3A_380 = vector.broadcast %broadcast_in_dim3A_379 : i32 to vector<16xi32>
        %gather3A_381 = tpu.vector_load_idx %arg21[%add3A_336, %broadcast_in_dim3A_380] : memref<1024x8xf32, #tpu.memory_space<vmem>>[vector<16xi32>, vector<16xi32>], vector<16xf32>,
        %mul3A_382 = arith.mulf %gather3A_378, %gather3A_381 : vector<16xf32>
        %add3A_383 = arith.addf %add3A_375, %mul3A_382 : vector<16xf32>
        %sub3A_384 = arith.constant 1.000000e+00 : f32
        %sub3A_385 = vector.broadcast %sub3A_384 : f32 to vector<16xf32>
        %sub3A_386 = arith.subf %sub3A_385, %add3A_383 : vector<16xf32>
        %mul3A_387 = arith.mulf %sub3A_386, %sub3A_386 : vector<16xf32>
        %mul3A_388 = arith.mulf %add3A_360, %mul3A_6 : vector<16xf32>
        %mul3A_389 = arith.mulf %mul3A_387, %mul3A_7 : vector<16xf32>
        %add3A_390 = arith.addf %mul3A_388, %mul3A_389 : vector<16xf32>
        %neg3A = arith.constant 0.000000e+00 : f32
        %neg3A_391 = vector.broadcast %neg3A : f32 to vector<16xf32>
        %neg3A_392 = arith.subf %neg3A_391, %add3A_390 : vector<16xf32>
        %exp3A = math.exp %neg3A_392 : vector<16xf32>
        %mul3A_393 = arith.constant 16 : i32
        %mul3A_394 = arith.muli %scan3A_332, %mul3A_393 : i32
        %swap3A = arith.index_cast %mul3A_394 : i32 to index
        %swap3A_395 = tpu.vector_load %arg25[%swap3A] {strides = array<i32>} : memref<1024xf32, #tpu.memory_space<vmem>>, vector<16xf32>,
        tpu.vector_store %arg25[%swap3A], %exp3A {strides = array<i32>} : memref<1024xf32, #tpu.memory_space<vmem>>, vector<16xf32>,
      }
      %scan3A_199 = arith.constant 64 : i32
      %min3A_200 = arith.minsi %add3A_182, %sub3A_16 : i32
      %add3A_201 = arith.addi %add3A_11, %min3A_200 : i32
      %mul3A_202 = arith.constant 1024 : i32
      %mul3A_203 = arith.muli %add3A_201, %mul3A_202 : i32
      %dma_start3A_204 = tpu.memref_slice %arg7[%mul3A_203] : memref<6400000xf32, #tpu.memory_space<hbm>> -> memref<1024xf32, #tpu.memory_space<hbm>>
      %dma_start3A_205 = tpu.memref_slice %arg7[%mul3A_203] : memref<6400000xf32, #tpu.memory_space<hbm>> -> memref<1024xf32, #tpu.memory_space<hbm>>
      tpu.enqueue_dma source(%arg25 : memref<1024xf32, #tpu.memory_space<vmem>>) target(%dma_start3A_205 : memref<1024xf32, #tpu.memory_space<hbm>>) target_semaphore(%arg40 : memref<!tpu.dma_semaphore, #tpu.memory_space<semaphore_mem>>)
      %add3A_206 = arith.constant 4 : i32
      %add3A_207 = arith.addi %add3A_182, %add3A_206 : i32
      %min3A_208 = arith.minsi %add3A_207, %sub3A_16 : i32
      %add3A_209 = arith.addi %add3A_11, %min3A_208 : i32
      %mul3A_210 = arith.constant 1024 : i32
      %mul3A_211 = arith.muli %add3A_209, %mul3A_210 : i32
      %dma_start3A_212 = tpu.memref_slice %arg3[%mul3A_211] : memref<6400000xi32, #tpu.memory_space<hbm>> -> memref<1024xi32, #tpu.memory_space<hbm>>
      %dma_start3A_213 = tpu.memref_slice %arg3[%mul3A_211] : memref<6400000xi32, #tpu.memory_space<hbm>> -> memref<1024xi32, #tpu.memory_space<hbm>>
      tpu.enqueue_dma source(%dma_start3A_213 : memref<1024xi32, #tpu.memory_space<hbm>>) target(%arg9 : memref<1024xi32, #tpu.memory_space<vmem>>) target_semaphore(%arg32 : memref<!tpu.dma_semaphore, #tpu.memory_space<semaphore_mem>>)
      %dma_start3A_214 = tpu.memref_slice %arg4[%mul3A_211] : memref<6400000xi32, #tpu.memory_space<hbm>> -> memref<1024xi32, #tpu.memory_space<hbm>>
      %dma_start3A_215 = tpu.memref_slice %arg4[%mul3A_211] : memref<6400000xi32, #tpu.memory_space<hbm>> -> memref<1024xi32, #tpu.memory_space<hbm>>
      tpu.enqueue_dma source(%dma_start3A_215 : memref<1024xi32, #tpu.memory_space<hbm>>) target(%arg13 : memref<1024xi32, #tpu.memory_space<vmem>>) target_semaphore(%arg32 : memref<!tpu.dma_semaphore, #tpu.memory_space<semaphore_mem>>)
      %dma_wait3A_216 = arith.constant 0 : i32
      %dma_wait3A_217 = tpu.memref_slice %arg3[%dma_wait3A_216] : memref<6400000xi32, #tpu.memory_space<hbm>> -> memref<1024xi32, #tpu.memory_space<hbm>>
      %dma_wait3A_218 = arith.constant 0 : i32
      %dma_wait3A_219 = tpu.memref_slice %arg3[%dma_wait3A_218] : memref<6400000xi32, #tpu.memory_space<hbm>> -> memref<1024xi32, #tpu.memory_space<hbm>>
      tpu.wait_dma2 semaphore(%arg34 : memref<!tpu.dma_semaphore, #tpu.memory_space<semaphore_mem>>) src(%dma_wait3A_219 : memref<1024xi32, #tpu.memory_space<hbm>>) dst(%arg11 : memref<1024xi32, #tpu.memory_space<vmem>>)
      %dma_wait3A_220 = arith.constant 0 : i32
      %dma_wait3A_221 = tpu.memref_slice %arg4[%dma_wait3A_220] : memref<6400000xi32, #tpu.memory_space<hbm>> -> memref<1024xi32, #tpu.memory_space<hbm>>
      %dma_wait3A_222 = arith.constant 0 : i32
      %dma_wait3A_223 = tpu.memref_slice %arg4[%dma_wait3A_222] : memref<6400000xi32, #tpu.memory_space<hbm>> -> memref<1024xi32, #tpu.memory_space<hbm>>
      tpu.wait_dma2 semaphore(%arg34 : memref<!tpu.dma_semaphore, #tpu.memory_space<semaphore_mem>>) src(%dma_wait3A_223 : memref<1024xi32, #tpu.memory_space<hbm>>) dst(%arg15 : memref<1024xi32, #tpu.memory_space<vmem>>)
      %dma_start3A_224 = arith.constant 0 : i32
      %dma_start3A_225 = arith.constant 0 : i32
      %dma_start3A_226 = tpu.memref_slice %arg30[%dma_start3A_224, %dma_start3A_225] : memref<100000x8xf32, #tpu.memory_space<vmem_shared>> -> memref<100000x8xf32, #tpu.memory_space<vmem_shared>>
      tpu.enqueue_indirect_dma source(%dma_start3A_226 : memref<100000x8xf32, #tpu.memory_space<vmem_shared>>) target(%arg19 : memref<1024x8xf32, #tpu.memory_space<vmem>>) offsets(%arg11 : memref<1024xi32, #tpu.memory_space<vmem>>) semaphore(%arg38 : memref<!tpu.dma_semaphore, #tpu.memory_space<semaphore_mem>>)
      %dma_start3A_227 = arith.constant 0 : i32
      %dma_start3A_228 = arith.constant 0 : i32
      %dma_start3A_229 = tpu.memref_slice %arg30[%dma_start3A_227, %dma_start3A_228] : memref<100000x8xf32, #tpu.memory_space<vmem_shared>> -> memref<100000x8xf32, #tpu.memory_space<vmem_shared>>
      tpu.enqueue_indirect_dma source(%dma_start3A_229 : memref<100000x8xf32, #tpu.memory_space<vmem_shared>>) target(%arg23 : memref<1024x8xf32, #tpu.memory_space<vmem>>) offsets(%arg15 : memref<1024xi32, #tpu.memory_space<vmem>>) semaphore(%arg38 : memref<!tpu.dma_semaphore, #tpu.memory_space<semaphore_mem>>)
      %mul3A_230 = arith.constant 4 : i32
      %mul3A_231 = arith.muli %mul3A_230, %scan3A_128 : i32
      %add3A_232 = arith.constant 2 : i32
      %add3A_233 = arith.addi %mul3A_231, %add3A_232 : i32
      %dma_wait3A_234 = arith.constant 0 : i32
      %dma_wait3A_235 = arith.constant 0 : i32
      %dma_wait3A_236 = tpu.memref_slice %arg30[%dma_wait3A_234, %dma_wait3A_235] : memref<100000x8xf32, #tpu.memory_space<vmem_shared>> -> memref<100000x8xf32, #tpu.memory_space<vmem_shared>>
      tpu.wait_indirect_dma semaphore(%arg37 : memref<!tpu.dma_semaphore, #tpu.memory_space<semaphore_mem>>) src(%dma_wait3A_236 : memref<100000x8xf32, #tpu.memory_space<vmem_shared>>) dst(%arg18 : memref<1024x8xf32, #tpu.memory_space<vmem>>)
      %dma_wait3A_237 = arith.constant 0 : i32
      %dma_wait3A_238 = arith.constant 0 : i32
      %dma_wait3A_239 = tpu.memref_slice %arg30[%dma_wait3A_237, %dma_wait3A_238] : memref<100000x8xf32, #tpu.memory_space<vmem_shared>> -> memref<100000x8xf32, #tpu.memory_space<vmem_shared>>
      tpu.wait_indirect_dma semaphore(%arg37 : memref<!tpu.dma_semaphore, #tpu.memory_space<semaphore_mem>>) src(%dma_wait3A_239 : memref<100000x8xf32, #tpu.memory_space<vmem_shared>>) dst(%arg22 : memref<1024x8xf32, #tpu.memory_space<vmem>>)
      %gt3A_240 = arith.constant 0 : i32
      %gt3A_241 = arith.cmpi sgt, %scan3A_128, %gt3A_240 : i32
      %convert_element_type3A_242 = arith.extui %gt3A_241 : i1 to i32
      %cond3A_243 = arith.constant 0 : i32
      %cond3A_244 = arith.cmpi ne, %convert_element_type3A_242, %cond3A_243 : i32
      scf.if %cond3A_244 {
        %dma_wait3A_332 = arith.constant 0 : i32
        %dma_wait3A_333 = tpu.memref_slice %arg7[%dma_wait3A_332] : memref<6400000xf32, #tpu.memory_space<hbm>> -> memref<1024xf32, #tpu.memory_space<hbm>>
        %dma_wait3A_334 = arith.constant 0 : i32
        %dma_wait3A_335 = tpu.memref_slice %arg7[%dma_wait3A_334] : memref<6400000xf32, #tpu.memory_space<hbm>> -> memref<1024xf32, #tpu.memory_space<hbm>>
        tpu.wait_dma2 semaphore(%arg41 : memref<!tpu.dma_semaphore, #tpu.memory_space<semaphore_mem>>) src(%arg26 : memref<1024xf32, #tpu.memory_space<vmem>>) dst(%dma_wait3A_335 : memref<1024xf32, #tpu.memory_space<hbm>>)
      } else {
      }
      %scan3A_245 = arith.constant 0 : i32
      %scan3A_246 = arith.constant 0 : i32
      %scan3A_247 = arith.constant 64 : i32
      %scan3A_248 = arith.addi %scan3A_246, %scan3A_247 : i32
      %scan3A_249 = arith.constant 1 : i32
      scf.for %scan3A_332 = %scan3A_246 to %scan3A_248 step %scan3A_249  : i32 {
        %mul3A_333 = arith.constant 16 : i32
        %mul3A_334 = arith.muli %scan3A_332, %mul3A_333 : i32
        %iota3A = tpu.iota {dimensions = array<i32: 0>} : vector<16xi32>
        %add3A_335 = vector.broadcast %mul3A_334 : i32 to vector<16xi32>
        %add3A_336 = arith.addi %add3A_335, %iota3A : vector<16xi32>
        %broadcast_in_dim3A = arith.constant 0 : i32
        %broadcast_in_dim3A_337 = vector.broadcast %broadcast_in_dim3A : i32 to vector<16xi32>
        %gather3A = tpu.vector_load_idx %arg18[%add3A_336, %broadcast_in_dim3A_337] : memref<1024x8xf32, #tpu.memory_space<vmem>>[vector<16xi32>, vector<16xi32>], vector<16xf32>,
        %broadcast_in_dim3A_338 = arith.constant 0 : i32
        %broadcast_in_dim3A_339 = vector.broadcast %broadcast_in_dim3A_338 : i32 to vector<16xi32>
        %gather3A_340 = tpu.vector_load_idx %arg22[%add3A_336, %broadcast_in_dim3A_339] : memref<1024x8xf32, #tpu.memory_space<vmem>>[vector<16xi32>, vector<16xi32>], vector<16xf32>,
        %sub3A_341 = arith.subf %gather3A, %gather3A_340 : vector<16xf32>
        %broadcast_in_dim3A_342 = arith.constant 1 : i32
        %broadcast_in_dim3A_343 = vector.broadcast %broadcast_in_dim3A_342 : i32 to vector<16xi32>
        %gather3A_344 = tpu.vector_load_idx %arg18[%add3A_336, %broadcast_in_dim3A_343] : memref<1024x8xf32, #tpu.memory_space<vmem>>[vector<16xi32>, vector<16xi32>], vector<16xf32>,
        %broadcast_in_dim3A_345 = arith.constant 1 : i32
        %broadcast_in_dim3A_346 = vector.broadcast %broadcast_in_dim3A_345 : i32 to vector<16xi32>
        %gather3A_347 = tpu.vector_load_idx %arg22[%add3A_336, %broadcast_in_dim3A_346] : memref<1024x8xf32, #tpu.memory_space<vmem>>[vector<16xi32>, vector<16xi32>], vector<16xf32>,
        %sub3A_348 = arith.subf %gather3A_344, %gather3A_347 : vector<16xf32>
        %broadcast_in_dim3A_349 = arith.constant 2 : i32
        %broadcast_in_dim3A_350 = vector.broadcast %broadcast_in_dim3A_349 : i32 to vector<16xi32>
        %gather3A_351 = tpu.vector_load_idx %arg18[%add3A_336, %broadcast_in_dim3A_350] : memref<1024x8xf32, #tpu.memory_space<vmem>>[vector<16xi32>, vector<16xi32>], vector<16xf32>,
        %broadcast_in_dim3A_352 = arith.constant 2 : i32
        %broadcast_in_dim3A_353 = vector.broadcast %broadcast_in_dim3A_352 : i32 to vector<16xi32>
        %gather3A_354 = tpu.vector_load_idx %arg22[%add3A_336, %broadcast_in_dim3A_353] : memref<1024x8xf32, #tpu.memory_space<vmem>>[vector<16xi32>, vector<16xi32>], vector<16xf32>,
        %sub3A_355 = arith.subf %gather3A_351, %gather3A_354 : vector<16xf32>
        %mul3A_356 = arith.mulf %sub3A_341, %sub3A_341 : vector<16xf32>
        %mul3A_357 = arith.mulf %sub3A_348, %sub3A_348 : vector<16xf32>
        %add3A_358 = arith.addf %mul3A_356, %mul3A_357 : vector<16xf32>
        %mul3A_359 = arith.mulf %sub3A_355, %sub3A_355 : vector<16xf32>
        %add3A_360 = arith.addf %add3A_358, %mul3A_359 : vector<16xf32>
        %broadcast_in_dim3A_361 = arith.constant 3 : i32
        %broadcast_in_dim3A_362 = vector.broadcast %broadcast_in_dim3A_361 : i32 to vector<16xi32>
        %gather3A_363 = tpu.vector_load_idx %arg18[%add3A_336, %broadcast_in_dim3A_362] : memref<1024x8xf32, #tpu.memory_space<vmem>>[vector<16xi32>, vector<16xi32>], vector<16xf32>,
        %broadcast_in_dim3A_364 = arith.constant 3 : i32
        %broadcast_in_dim3A_365 = vector.broadcast %broadcast_in_dim3A_364 : i32 to vector<16xi32>
        %gather3A_366 = tpu.vector_load_idx %arg22[%add3A_336, %broadcast_in_dim3A_365] : memref<1024x8xf32, #tpu.memory_space<vmem>>[vector<16xi32>, vector<16xi32>], vector<16xf32>,
        %mul3A_367 = arith.mulf %gather3A_363, %gather3A_366 : vector<16xf32>
        %broadcast_in_dim3A_368 = arith.constant 4 : i32
        %broadcast_in_dim3A_369 = vector.broadcast %broadcast_in_dim3A_368 : i32 to vector<16xi32>
        %gather3A_370 = tpu.vector_load_idx %arg18[%add3A_336, %broadcast_in_dim3A_369] : memref<1024x8xf32, #tpu.memory_space<vmem>>[vector<16xi32>, vector<16xi32>], vector<16xf32>,
        %broadcast_in_dim3A_371 = arith.constant 4 : i32
        %broadcast_in_dim3A_372 = vector.broadcast %broadcast_in_dim3A_371 : i32 to vector<16xi32>
        %gather3A_373 = tpu.vector_load_idx %arg22[%add3A_336, %broadcast_in_dim3A_372] : memref<1024x8xf32, #tpu.memory_space<vmem>>[vector<16xi32>, vector<16xi32>], vector<16xf32>,
        %mul3A_374 = arith.mulf %gather3A_370, %gather3A_373 : vector<16xf32>
        %add3A_375 = arith.addf %mul3A_367, %mul3A_374 : vector<16xf32>
        %broadcast_in_dim3A_376 = arith.constant 5 : i32
        %broadcast_in_dim3A_377 = vector.broadcast %broadcast_in_dim3A_376 : i32 to vector<16xi32>
        %gather3A_378 = tpu.vector_load_idx %arg18[%add3A_336, %broadcast_in_dim3A_377] : memref<1024x8xf32, #tpu.memory_space<vmem>>[vector<16xi32>, vector<16xi32>], vector<16xf32>,
        %broadcast_in_dim3A_379 = arith.constant 5 : i32
        %broadcast_in_dim3A_380 = vector.broadcast %broadcast_in_dim3A_379 : i32 to vector<16xi32>
        %gather3A_381 = tpu.vector_load_idx %arg22[%add3A_336, %broadcast_in_dim3A_380] : memref<1024x8xf32, #tpu.memory_space<vmem>>[vector<16xi32>, vector<16xi32>], vector<16xf32>,
        %mul3A_382 = arith.mulf %gather3A_378, %gather3A_381 : vector<16xf32>
        %add3A_383 = arith.addf %add3A_375, %mul3A_382 : vector<16xf32>
        %sub3A_384 = arith.constant 1.000000e+00 : f32
        %sub3A_385 = vector.broadcast %sub3A_384 : f32 to vector<16xf32>
        %sub3A_386 = arith.subf %sub3A_385, %add3A_383 : vector<16xf32>
        %mul3A_387 = arith.mulf %sub3A_386, %sub3A_386 : vector<16xf32>
        %mul3A_388 = arith.mulf %add3A_360, %mul3A_6 : vector<16xf32>
        %mul3A_389 = arith.mulf %mul3A_387, %mul3A_7 : vector<16xf32>
        %add3A_390 = arith.addf %mul3A_388, %mul3A_389 : vector<16xf32>
        %neg3A = arith.constant 0.000000e+00 : f32
        %neg3A_391 = vector.broadcast %neg3A : f32 to vector<16xf32>
        %neg3A_392 = arith.subf %neg3A_391, %add3A_390 : vector<16xf32>
        %exp3A = math.exp %neg3A_392 : vector<16xf32>
        %mul3A_393 = arith.constant 16 : i32
        %mul3A_394 = arith.muli %scan3A_332, %mul3A_393 : i32
        %swap3A = arith.index_cast %mul3A_394 : i32 to index
        %swap3A_395 = tpu.vector_load %arg26[%swap3A] {strides = array<i32>} : memref<1024xf32, #tpu.memory_space<vmem>>, vector<16xf32>,
        tpu.vector_store %arg26[%swap3A], %exp3A {strides = array<i32>} : memref<1024xf32, #tpu.memory_space<vmem>>, vector<16xf32>,
      }
      %scan3A_250 = arith.constant 64 : i32
      %min3A_251 = arith.minsi %add3A_233, %sub3A_16 : i32
      %add3A_252 = arith.addi %add3A_11, %min3A_251 : i32
      %mul3A_253 = arith.constant 1024 : i32
      %mul3A_254 = arith.muli %add3A_252, %mul3A_253 : i32
      %dma_start3A_255 = tpu.memref_slice %arg7[%mul3A_254] : memref<6400000xf32, #tpu.memory_space<hbm>> -> memref<1024xf32, #tpu.memory_space<hbm>>
      %dma_start3A_256 = tpu.memref_slice %arg7[%mul3A_254] : memref<6400000xf32, #tpu.memory_space<hbm>> -> memref<1024xf32, #tpu.memory_space<hbm>>
      tpu.enqueue_dma source(%arg26 : memref<1024xf32, #tpu.memory_space<vmem>>) target(%dma_start3A_256 : memref<1024xf32, #tpu.memory_space<hbm>>) target_semaphore(%arg41 : memref<!tpu.dma_semaphore, #tpu.memory_space<semaphore_mem>>)
      %add3A_257 = arith.constant 4 : i32
      %add3A_258 = arith.addi %add3A_233, %add3A_257 : i32
      %min3A_259 = arith.minsi %add3A_258, %sub3A_16 : i32
      %add3A_260 = arith.addi %add3A_11, %min3A_259 : i32
      %mul3A_261 = arith.constant 1024 : i32
      %mul3A_262 = arith.muli %add3A_260, %mul3A_261 : i32
      %dma_start3A_263 = tpu.memref_slice %arg3[%mul3A_262] : memref<6400000xi32, #tpu.memory_space<hbm>> -> memref<1024xi32, #tpu.memory_space<hbm>>
      %dma_start3A_264 = tpu.memref_slice %arg3[%mul3A_262] : memref<6400000xi32, #tpu.memory_space<hbm>> -> memref<1024xi32, #tpu.memory_space<hbm>>
      tpu.enqueue_dma source(%dma_start3A_264 : memref<1024xi32, #tpu.memory_space<hbm>>) target(%arg10 : memref<1024xi32, #tpu.memory_space<vmem>>) target_semaphore(%arg33 : memref<!tpu.dma_semaphore, #tpu.memory_space<semaphore_mem>>)
      %dma_start3A_265 = tpu.memref_slice %arg4[%mul3A_262] : memref<6400000xi32, #tpu.memory_space<hbm>> -> memref<1024xi32, #tpu.memory_space<hbm>>
      %dma_start3A_266 = tpu.memref_slice %arg4[%mul3A_262] : memref<6400000xi32, #tpu.memory_space<hbm>> -> memref<1024xi32, #tpu.memory_space<hbm>>
      tpu.enqueue_dma source(%dma_start3A_266 : memref<1024xi32, #tpu.memory_space<hbm>>) target(%arg14 : memref<1024xi32, #tpu.memory_space<vmem>>) target_semaphore(%arg33 : memref<!tpu.dma_semaphore, #tpu.memory_space<semaphore_mem>>)
      %dma_wait3A_267 = arith.constant 0 : i32
      %dma_wait3A_268 = tpu.memref_slice %arg3[%dma_wait3A_267] : memref<6400000xi32, #tpu.memory_space<hbm>> -> memref<1024xi32, #tpu.memory_space<hbm>>
      %dma_wait3A_269 = arith.constant 0 : i32
      %dma_wait3A_270 = tpu.memref_slice %arg3[%dma_wait3A_269] : memref<6400000xi32, #tpu.memory_space<hbm>> -> memref<1024xi32, #tpu.memory_space<hbm>>
      tpu.wait_dma2 semaphore(%arg31 : memref<!tpu.dma_semaphore, #tpu.memory_space<semaphore_mem>>) src(%dma_wait3A_270 : memref<1024xi32, #tpu.memory_space<hbm>>) dst(%arg8 : memref<1024xi32, #tpu.memory_space<vmem>>)
      %dma_wait3A_271 = arith.constant 0 : i32
      %dma_wait3A_272 = tpu.memref_slice %arg4[%dma_wait3A_271] : memref<6400000xi32, #tpu.memory_space<hbm>> -> memref<1024xi32, #tpu.memory_space<hbm>>
      %dma_wait3A_273 = arith.constant 0 : i32
      %dma_wait3A_274 = tpu.memref_slice %arg4[%dma_wait3A_273] : memref<6400000xi32, #tpu.memory_space<hbm>> -> memref<1024xi32, #tpu.memory_space<hbm>>
      tpu.wait_dma2 semaphore(%arg31 : memref<!tpu.dma_semaphore, #tpu.memory_space<semaphore_mem>>) src(%dma_wait3A_274 : memref<1024xi32, #tpu.memory_space<hbm>>) dst(%arg12 : memref<1024xi32, #tpu.memory_space<vmem>>)
      %dma_start3A_275 = arith.constant 0 : i32
      %dma_start3A_276 = arith.constant 0 : i32
      %dma_start3A_277 = tpu.memref_slice %arg30[%dma_start3A_275, %dma_start3A_276] : memref<100000x8xf32, #tpu.memory_space<vmem_shared>> -> memref<100000x8xf32, #tpu.memory_space<vmem_shared>>
      tpu.enqueue_indirect_dma source(%dma_start3A_277 : memref<100000x8xf32, #tpu.memory_space<vmem_shared>>) target(%arg16 : memref<1024x8xf32, #tpu.memory_space<vmem>>) offsets(%arg8 : memref<1024xi32, #tpu.memory_space<vmem>>) semaphore(%arg35 : memref<!tpu.dma_semaphore, #tpu.memory_space<semaphore_mem>>)
      %dma_start3A_278 = arith.constant 0 : i32
      %dma_start3A_279 = arith.constant 0 : i32
      %dma_start3A_280 = tpu.memref_slice %arg30[%dma_start3A_278, %dma_start3A_279] : memref<100000x8xf32, #tpu.memory_space<vmem_shared>> -> memref<100000x8xf32, #tpu.memory_space<vmem_shared>>
      tpu.enqueue_indirect_dma source(%dma_start3A_280 : memref<100000x8xf32, #tpu.memory_space<vmem_shared>>) target(%arg20 : memref<1024x8xf32, #tpu.memory_space<vmem>>) offsets(%arg12 : memref<1024xi32, #tpu.memory_space<vmem>>) semaphore(%arg35 : memref<!tpu.dma_semaphore, #tpu.memory_space<semaphore_mem>>)
      %mul3A_281 = arith.constant 4 : i32
      %mul3A_282 = arith.muli %mul3A_281, %scan3A_128 : i32
      %add3A_283 = arith.constant 3 : i32
      %add3A_284 = arith.addi %mul3A_282, %add3A_283 : i32
      %dma_wait3A_285 = arith.constant 0 : i32
      %dma_wait3A_286 = arith.constant 0 : i32
      %dma_wait3A_287 = tpu.memref_slice %arg30[%dma_wait3A_285, %dma_wait3A_286] : memref<100000x8xf32, #tpu.memory_space<vmem_shared>> -> memref<100000x8xf32, #tpu.memory_space<vmem_shared>>
      tpu.wait_indirect_dma semaphore(%arg38 : memref<!tpu.dma_semaphore, #tpu.memory_space<semaphore_mem>>) src(%dma_wait3A_287 : memref<100000x8xf32, #tpu.memory_space<vmem_shared>>) dst(%arg19 : memref<1024x8xf32, #tpu.memory_space<vmem>>)
      %dma_wait3A_288 = arith.constant 0 : i32
      %dma_wait3A_289 = arith.constant 0 : i32
      %dma_wait3A_290 = tpu.memref_slice %arg30[%dma_wait3A_288, %dma_wait3A_289] : memref<100000x8xf32, #tpu.memory_space<vmem_shared>> -> memref<100000x8xf32, #tpu.memory_space<vmem_shared>>
      tpu.wait_indirect_dma semaphore(%arg38 : memref<!tpu.dma_semaphore, #tpu.memory_space<semaphore_mem>>) src(%dma_wait3A_290 : memref<100000x8xf32, #tpu.memory_space<vmem_shared>>) dst(%arg23 : memref<1024x8xf32, #tpu.memory_space<vmem>>)
      %gt3A_291 = arith.constant 0 : i32
      %gt3A_292 = arith.cmpi sgt, %scan3A_128, %gt3A_291 : i32
      %convert_element_type3A_293 = arith.extui %gt3A_292 : i1 to i32
      %cond3A_294 = arith.constant 0 : i32
      %cond3A_295 = arith.cmpi ne, %convert_element_type3A_293, %cond3A_294 : i32
      scf.if %cond3A_295 {
        %dma_wait3A_332 = arith.constant 0 : i32
        %dma_wait3A_333 = tpu.memref_slice %arg7[%dma_wait3A_332] : memref<6400000xf32, #tpu.memory_space<hbm>> -> memref<1024xf32, #tpu.memory_space<hbm>>
        %dma_wait3A_334 = arith.constant 0 : i32
        %dma_wait3A_335 = tpu.memref_slice %arg7[%dma_wait3A_334] : memref<6400000xf32, #tpu.memory_space<hbm>> -> memref<1024xf32, #tpu.memory_space<hbm>>
        tpu.wait_dma2 semaphore(%arg42 : memref<!tpu.dma_semaphore, #tpu.memory_space<semaphore_mem>>) src(%arg27 : memref<1024xf32, #tpu.memory_space<vmem>>) dst(%dma_wait3A_335 : memref<1024xf32, #tpu.memory_space<hbm>>)
      } else {
      }
      %scan3A_296 = arith.constant 0 : i32
      %scan3A_297 = arith.constant 0 : i32
      %scan3A_298 = arith.constant 64 : i32
      %scan3A_299 = arith.addi %scan3A_297, %scan3A_298 : i32
      %scan3A_300 = arith.constant 1 : i32
      scf.for %scan3A_332 = %scan3A_297 to %scan3A_299 step %scan3A_300  : i32 {
        %mul3A_333 = arith.constant 16 : i32
        %mul3A_334 = arith.muli %scan3A_332, %mul3A_333 : i32
        %iota3A = tpu.iota {dimensions = array<i32: 0>} : vector<16xi32>
        %add3A_335 = vector.broadcast %mul3A_334 : i32 to vector<16xi32>
        %add3A_336 = arith.addi %add3A_335, %iota3A : vector<16xi32>
        %broadcast_in_dim3A = arith.constant 0 : i32
        %broadcast_in_dim3A_337 = vector.broadcast %broadcast_in_dim3A : i32 to vector<16xi32>
        %gather3A = tpu.vector_load_idx %arg19[%add3A_336, %broadcast_in_dim3A_337] : memref<1024x8xf32, #tpu.memory_space<vmem>>[vector<16xi32>, vector<16xi32>], vector<16xf32>,
        %broadcast_in_dim3A_338 = arith.constant 0 : i32
        %broadcast_in_dim3A_339 = vector.broadcast %broadcast_in_dim3A_338 : i32 to vector<16xi32>
        %gather3A_340 = tpu.vector_load_idx %arg23[%add3A_336, %broadcast_in_dim3A_339] : memref<1024x8xf32, #tpu.memory_space<vmem>>[vector<16xi32>, vector<16xi32>], vector<16xf32>,
        %sub3A_341 = arith.subf %gather3A, %gather3A_340 : vector<16xf32>
        %broadcast_in_dim3A_342 = arith.constant 1 : i32
        %broadcast_in_dim3A_343 = vector.broadcast %broadcast_in_dim3A_342 : i32 to vector<16xi32>
        %gather3A_344 = tpu.vector_load_idx %arg19[%add3A_336, %broadcast_in_dim3A_343] : memref<1024x8xf32, #tpu.memory_space<vmem>>[vector<16xi32>, vector<16xi32>], vector<16xf32>,
        %broadcast_in_dim3A_345 = arith.constant 1 : i32
        %broadcast_in_dim3A_346 = vector.broadcast %broadcast_in_dim3A_345 : i32 to vector<16xi32>
        %gather3A_347 = tpu.vector_load_idx %arg23[%add3A_336, %broadcast_in_dim3A_346] : memref<1024x8xf32, #tpu.memory_space<vmem>>[vector<16xi32>, vector<16xi32>], vector<16xf32>,
        %sub3A_348 = arith.subf %gather3A_344, %gather3A_347 : vector<16xf32>
        %broadcast_in_dim3A_349 = arith.constant 2 : i32
        %broadcast_in_dim3A_350 = vector.broadcast %broadcast_in_dim3A_349 : i32 to vector<16xi32>
        %gather3A_351 = tpu.vector_load_idx %arg19[%add3A_336, %broadcast_in_dim3A_350] : memref<1024x8xf32, #tpu.memory_space<vmem>>[vector<16xi32>, vector<16xi32>], vector<16xf32>,
        %broadcast_in_dim3A_352 = arith.constant 2 : i32
        %broadcast_in_dim3A_353 = vector.broadcast %broadcast_in_dim3A_352 : i32 to vector<16xi32>
        %gather3A_354 = tpu.vector_load_idx %arg23[%add3A_336, %broadcast_in_dim3A_353] : memref<1024x8xf32, #tpu.memory_space<vmem>>[vector<16xi32>, vector<16xi32>], vector<16xf32>,
        %sub3A_355 = arith.subf %gather3A_351, %gather3A_354 : vector<16xf32>
        %mul3A_356 = arith.mulf %sub3A_341, %sub3A_341 : vector<16xf32>
        %mul3A_357 = arith.mulf %sub3A_348, %sub3A_348 : vector<16xf32>
        %add3A_358 = arith.addf %mul3A_356, %mul3A_357 : vector<16xf32>
        %mul3A_359 = arith.mulf %sub3A_355, %sub3A_355 : vector<16xf32>
        %add3A_360 = arith.addf %add3A_358, %mul3A_359 : vector<16xf32>
        %broadcast_in_dim3A_361 = arith.constant 3 : i32
        %broadcast_in_dim3A_362 = vector.broadcast %broadcast_in_dim3A_361 : i32 to vector<16xi32>
        %gather3A_363 = tpu.vector_load_idx %arg19[%add3A_336, %broadcast_in_dim3A_362] : memref<1024x8xf32, #tpu.memory_space<vmem>>[vector<16xi32>, vector<16xi32>], vector<16xf32>,
        %broadcast_in_dim3A_364 = arith.constant 3 : i32
        %broadcast_in_dim3A_365 = vector.broadcast %broadcast_in_dim3A_364 : i32 to vector<16xi32>
        %gather3A_366 = tpu.vector_load_idx %arg23[%add3A_336, %broadcast_in_dim3A_365] : memref<1024x8xf32, #tpu.memory_space<vmem>>[vector<16xi32>, vector<16xi32>], vector<16xf32>,
        %mul3A_367 = arith.mulf %gather3A_363, %gather3A_366 : vector<16xf32>
        %broadcast_in_dim3A_368 = arith.constant 4 : i32
        %broadcast_in_dim3A_369 = vector.broadcast %broadcast_in_dim3A_368 : i32 to vector<16xi32>
        %gather3A_370 = tpu.vector_load_idx %arg19[%add3A_336, %broadcast_in_dim3A_369] : memref<1024x8xf32, #tpu.memory_space<vmem>>[vector<16xi32>, vector<16xi32>], vector<16xf32>,
        %broadcast_in_dim3A_371 = arith.constant 4 : i32
        %broadcast_in_dim3A_372 = vector.broadcast %broadcast_in_dim3A_371 : i32 to vector<16xi32>
        %gather3A_373 = tpu.vector_load_idx %arg23[%add3A_336, %broadcast_in_dim3A_372] : memref<1024x8xf32, #tpu.memory_space<vmem>>[vector<16xi32>, vector<16xi32>], vector<16xf32>,
        %mul3A_374 = arith.mulf %gather3A_370, %gather3A_373 : vector<16xf32>
        %add3A_375 = arith.addf %mul3A_367, %mul3A_374 : vector<16xf32>
        %broadcast_in_dim3A_376 = arith.constant 5 : i32
        %broadcast_in_dim3A_377 = vector.broadcast %broadcast_in_dim3A_376 : i32 to vector<16xi32>
        %gather3A_378 = tpu.vector_load_idx %arg19[%add3A_336, %broadcast_in_dim3A_377] : memref<1024x8xf32, #tpu.memory_space<vmem>>[vector<16xi32>, vector<16xi32>], vector<16xf32>,
        %broadcast_in_dim3A_379 = arith.constant 5 : i32
        %broadcast_in_dim3A_380 = vector.broadcast %broadcast_in_dim3A_379 : i32 to vector<16xi32>
        %gather3A_381 = tpu.vector_load_idx %arg23[%add3A_336, %broadcast_in_dim3A_380] : memref<1024x8xf32, #tpu.memory_space<vmem>>[vector<16xi32>, vector<16xi32>], vector<16xf32>,
        %mul3A_382 = arith.mulf %gather3A_378, %gather3A_381 : vector<16xf32>
        %add3A_383 = arith.addf %add3A_375, %mul3A_382 : vector<16xf32>
        %sub3A_384 = arith.constant 1.000000e+00 : f32
        %sub3A_385 = vector.broadcast %sub3A_384 : f32 to vector<16xf32>
        %sub3A_386 = arith.subf %sub3A_385, %add3A_383 : vector<16xf32>
        %mul3A_387 = arith.mulf %sub3A_386, %sub3A_386 : vector<16xf32>
        %mul3A_388 = arith.mulf %add3A_360, %mul3A_6 : vector<16xf32>
        %mul3A_389 = arith.mulf %mul3A_387, %mul3A_7 : vector<16xf32>
        %add3A_390 = arith.addf %mul3A_388, %mul3A_389 : vector<16xf32>
        %neg3A = arith.constant 0.000000e+00 : f32
        %neg3A_391 = vector.broadcast %neg3A : f32 to vector<16xf32>
        %neg3A_392 = arith.subf %neg3A_391, %add3A_390 : vector<16xf32>
        %exp3A = math.exp %neg3A_392 : vector<16xf32>
        %mul3A_393 = arith.constant 16 : i32
        %mul3A_394 = arith.muli %scan3A_332, %mul3A_393 : i32
        %swap3A = arith.index_cast %mul3A_394 : i32 to index
        %swap3A_395 = tpu.vector_load %arg27[%swap3A] {strides = array<i32>} : memref<1024xf32, #tpu.memory_space<vmem>>, vector<16xf32>,
        tpu.vector_store %arg27[%swap3A], %exp3A {strides = array<i32>} : memref<1024xf32, #tpu.memory_space<vmem>>, vector<16xf32>,
      }
      %scan3A_301 = arith.constant 64 : i32
      %min3A_302 = arith.minsi %add3A_284, %sub3A_16 : i32
      %add3A_303 = arith.addi %add3A_11, %min3A_302 : i32
      %mul3A_304 = arith.constant 1024 : i32
      %mul3A_305 = arith.muli %add3A_303, %mul3A_304 : i32
      %dma_start3A_306 = tpu.memref_slice %arg7[%mul3A_305] : memref<6400000xf32, #tpu.memory_space<hbm>> -> memref<1024xf32, #tpu.memory_space<hbm>>
      %dma_start3A_307 = tpu.memref_slice %arg7[%mul3A_305] : memref<6400000xf32, #tpu.memory_space<hbm>> -> memref<1024xf32, #tpu.memory_space<hbm>>
      tpu.enqueue_dma source(%arg27 : memref<1024xf32, #tpu.memory_space<vmem>>) target(%dma_start3A_307 : memref<1024xf32, #tpu.memory_space<hbm>>) target_semaphore(%arg42 : memref<!tpu.dma_semaphore, #tpu.memory_space<semaphore_mem>>)
      %add3A_308 = arith.constant 4 : i32
      %add3A_309 = arith.addi %add3A_284, %add3A_308 : i32
      %min3A_310 = arith.minsi %add3A_309, %sub3A_16 : i32
      %add3A_311 = arith.addi %add3A_11, %min3A_310 : i32
      %mul3A_312 = arith.constant 1024 : i32
      %mul3A_313 = arith.muli %add3A_311, %mul3A_312 : i32
      %dma_start3A_314 = tpu.memref_slice %arg3[%mul3A_313] : memref<6400000xi32, #tpu.memory_space<hbm>> -> memref<1024xi32, #tpu.memory_space<hbm>>
      %dma_start3A_315 = tpu.memref_slice %arg3[%mul3A_313] : memref<6400000xi32, #tpu.memory_space<hbm>> -> memref<1024xi32, #tpu.memory_space<hbm>>
      tpu.enqueue_dma source(%dma_start3A_315 : memref<1024xi32, #tpu.memory_space<hbm>>) target(%arg11 : memref<1024xi32, #tpu.memory_space<vmem>>) target_semaphore(%arg34 : memref<!tpu.dma_semaphore, #tpu.memory_space<semaphore_mem>>)
      %dma_start3A_316 = tpu.memref_slice %arg4[%mul3A_313] : memref<6400000xi32, #tpu.memory_space<hbm>> -> memref<1024xi32, #tpu.memory_space<hbm>>
      %dma_start3A_317 = tpu.memref_slice %arg4[%mul3A_313] : memref<6400000xi32, #tpu.memory_space<hbm>> -> memref<1024xi32, #tpu.memory_space<hbm>>
      tpu.enqueue_dma source(%dma_start3A_317 : memref<1024xi32, #tpu.memory_space<hbm>>) target(%arg15 : memref<1024xi32, #tpu.memory_space<vmem>>) target_semaphore(%arg34 : memref<!tpu.dma_semaphore, #tpu.memory_space<semaphore_mem>>)
      %dma_wait3A_318 = arith.constant 0 : i32
      %dma_wait3A_319 = tpu.memref_slice %arg3[%dma_wait3A_318] : memref<6400000xi32, #tpu.memory_space<hbm>> -> memref<1024xi32, #tpu.memory_space<hbm>>
      %dma_wait3A_320 = arith.constant 0 : i32
      %dma_wait3A_321 = tpu.memref_slice %arg3[%dma_wait3A_320] : memref<6400000xi32, #tpu.memory_space<hbm>> -> memref<1024xi32, #tpu.memory_space<hbm>>
      tpu.wait_dma2 semaphore(%arg32 : memref<!tpu.dma_semaphore, #tpu.memory_space<semaphore_mem>>) src(%dma_wait3A_321 : memref<1024xi32, #tpu.memory_space<hbm>>) dst(%arg9 : memref<1024xi32, #tpu.memory_space<vmem>>)
      %dma_wait3A_322 = arith.constant 0 : i32
      %dma_wait3A_323 = tpu.memref_slice %arg4[%dma_wait3A_322] : memref<6400000xi32, #tpu.memory_space<hbm>> -> memref<1024xi32, #tpu.memory_space<hbm>>
      %dma_wait3A_324 = arith.constant 0 : i32
      %dma_wait3A_325 = tpu.memref_slice %arg4[%dma_wait3A_324] : memref<6400000xi32, #tpu.memory_space<hbm>> -> memref<1024xi32, #tpu.memory_space<hbm>>
      tpu.wait_dma2 semaphore(%arg32 : memref<!tpu.dma_semaphore, #tpu.memory_space<semaphore_mem>>) src(%dma_wait3A_325 : memref<1024xi32, #tpu.memory_space<hbm>>) dst(%arg13 : memref<1024xi32, #tpu.memory_space<vmem>>)
      %dma_start3A_326 = arith.constant 0 : i32
      %dma_start3A_327 = arith.constant 0 : i32
      %dma_start3A_328 = tpu.memref_slice %arg30[%dma_start3A_326, %dma_start3A_327] : memref<100000x8xf32, #tpu.memory_space<vmem_shared>> -> memref<100000x8xf32, #tpu.memory_space<vmem_shared>>
      tpu.enqueue_indirect_dma source(%dma_start3A_328 : memref<100000x8xf32, #tpu.memory_space<vmem_shared>>) target(%arg17 : memref<1024x8xf32, #tpu.memory_space<vmem>>) offsets(%arg9 : memref<1024xi32, #tpu.memory_space<vmem>>) semaphore(%arg36 : memref<!tpu.dma_semaphore, #tpu.memory_space<semaphore_mem>>)
      %dma_start3A_329 = arith.constant 0 : i32
      %dma_start3A_330 = arith.constant 0 : i32
      %dma_start3A_331 = tpu.memref_slice %arg30[%dma_start3A_329, %dma_start3A_330] : memref<100000x8xf32, #tpu.memory_space<vmem_shared>> -> memref<100000x8xf32, #tpu.memory_space<vmem_shared>>
      tpu.enqueue_indirect_dma source(%dma_start3A_331 : memref<100000x8xf32, #tpu.memory_space<vmem_shared>>) target(%arg21 : memref<1024x8xf32, #tpu.memory_space<vmem>>) offsets(%arg13 : memref<1024xi32, #tpu.memory_space<vmem>>) semaphore(%arg36 : memref<!tpu.dma_semaphore, #tpu.memory_space<semaphore_mem>>)
    }
    %scan3A_83 = arith.constant 49 : i32
    %dma_wait3A_84 = arith.constant 0 : i32
    %dma_wait3A_85 = arith.constant 0 : i32
    %dma_wait3A_86 = tpu.memref_slice %arg30[%dma_wait3A_84, %dma_wait3A_85] : memref<100000x8xf32, #tpu.memory_space<vmem_shared>> -> memref<100000x8xf32, #tpu.memory_space<vmem_shared>>
    tpu.wait_indirect_dma semaphore(%arg35 : memref<!tpu.dma_semaphore, #tpu.memory_space<semaphore_mem>>) src(%dma_wait3A_86 : memref<100000x8xf32, #tpu.memory_space<vmem_shared>>) dst(%arg16 : memref<1024x8xf32, #tpu.memory_space<vmem>>)
    %dma_wait3A_87 = arith.constant 0 : i32
    %dma_wait3A_88 = arith.constant 0 : i32
    %dma_wait3A_89 = tpu.memref_slice %arg30[%dma_wait3A_87, %dma_wait3A_88] : memref<100000x8xf32, #tpu.memory_space<vmem_shared>> -> memref<100000x8xf32, #tpu.memory_space<vmem_shared>>
    tpu.wait_indirect_dma semaphore(%arg35 : memref<!tpu.dma_semaphore, #tpu.memory_space<semaphore_mem>>) src(%dma_wait3A_89 : memref<100000x8xf32, #tpu.memory_space<vmem_shared>>) dst(%arg20 : memref<1024x8xf32, #tpu.memory_space<vmem>>)
    %dma_wait3A_90 = arith.constant 0 : i32
    %dma_wait3A_91 = arith.constant 0 : i32
    %dma_wait3A_92 = tpu.memref_slice %arg30[%dma_wait3A_90, %dma_wait3A_91] : memref<100000x8xf32, #tpu.memory_space<vmem_shared>> -> memref<100000x8xf32, #tpu.memory_space<vmem_shared>>
    tpu.wait_indirect_dma semaphore(%arg36 : memref<!tpu.dma_semaphore, #tpu.memory_space<semaphore_mem>>) src(%dma_wait3A_92 : memref<100000x8xf32, #tpu.memory_space<vmem_shared>>) dst(%arg17 : memref<1024x8xf32, #tpu.memory_space<vmem>>)
    %dma_wait3A_93 = arith.constant 0 : i32
    %dma_wait3A_94 = arith.constant 0 : i32
    %dma_wait3A_95 = tpu.memref_slice %arg30[%dma_wait3A_93, %dma_wait3A_94] : memref<100000x8xf32, #tpu.memory_space<vmem_shared>> -> memref<100000x8xf32, #tpu.memory_space<vmem_shared>>
    tpu.wait_indirect_dma semaphore(%arg36 : memref<!tpu.dma_semaphore, #tpu.memory_space<semaphore_mem>>) src(%dma_wait3A_95 : memref<100000x8xf32, #tpu.memory_space<vmem_shared>>) dst(%arg21 : memref<1024x8xf32, #tpu.memory_space<vmem>>)
    %dma_wait3A_96 = arith.constant 0 : i32
    %dma_wait3A_97 = tpu.memref_slice %arg3[%dma_wait3A_96] : memref<6400000xi32, #tpu.memory_space<hbm>> -> memref<1024xi32, #tpu.memory_space<hbm>>
    %dma_wait3A_98 = arith.constant 0 : i32
    %dma_wait3A_99 = tpu.memref_slice %arg3[%dma_wait3A_98] : memref<6400000xi32, #tpu.memory_space<hbm>> -> memref<1024xi32, #tpu.memory_space<hbm>>
    tpu.wait_dma2 semaphore(%arg33 : memref<!tpu.dma_semaphore, #tpu.memory_space<semaphore_mem>>) src(%dma_wait3A_99 : memref<1024xi32, #tpu.memory_space<hbm>>) dst(%arg10 : memref<1024xi32, #tpu.memory_space<vmem>>)
    %dma_wait3A_100 = arith.constant 0 : i32
    %dma_wait3A_101 = tpu.memref_slice %arg4[%dma_wait3A_100] : memref<6400000xi32, #tpu.memory_space<hbm>> -> memref<1024xi32, #tpu.memory_space<hbm>>
    %dma_wait3A_102 = arith.constant 0 : i32
    %dma_wait3A_103 = tpu.memref_slice %arg4[%dma_wait3A_102] : memref<6400000xi32, #tpu.memory_space<hbm>> -> memref<1024xi32, #tpu.memory_space<hbm>>
    tpu.wait_dma2 semaphore(%arg33 : memref<!tpu.dma_semaphore, #tpu.memory_space<semaphore_mem>>) src(%dma_wait3A_103 : memref<1024xi32, #tpu.memory_space<hbm>>) dst(%arg14 : memref<1024xi32, #tpu.memory_space<vmem>>)
    %dma_wait3A_104 = arith.constant 0 : i32
    %dma_wait3A_105 = tpu.memref_slice %arg3[%dma_wait3A_104] : memref<6400000xi32, #tpu.memory_space<hbm>> -> memref<1024xi32, #tpu.memory_space<hbm>>
    %dma_wait3A_106 = arith.constant 0 : i32
    %dma_wait3A_107 = tpu.memref_slice %arg3[%dma_wait3A_106] : memref<6400000xi32, #tpu.memory_space<hbm>> -> memref<1024xi32, #tpu.memory_space<hbm>>
    tpu.wait_dma2 semaphore(%arg34 : memref<!tpu.dma_semaphore, #tpu.memory_space<semaphore_mem>>) src(%dma_wait3A_107 : memref<1024xi32, #tpu.memory_space<hbm>>) dst(%arg11 : memref<1024xi32, #tpu.memory_space<vmem>>)
    %dma_wait3A_108 = arith.constant 0 : i32
    %dma_wait3A_109 = tpu.memref_slice %arg4[%dma_wait3A_108] : memref<6400000xi32, #tpu.memory_space<hbm>> -> memref<1024xi32, #tpu.memory_space<hbm>>
    %dma_wait3A_110 = arith.constant 0 : i32
    %dma_wait3A_111 = tpu.memref_slice %arg4[%dma_wait3A_110] : memref<6400000xi32, #tpu.memory_space<hbm>> -> memref<1024xi32, #tpu.memory_space<hbm>>
    tpu.wait_dma2 semaphore(%arg34 : memref<!tpu.dma_semaphore, #tpu.memory_space<semaphore_mem>>) src(%dma_wait3A_111 : memref<1024xi32, #tpu.memory_space<hbm>>) dst(%arg15 : memref<1024xi32, #tpu.memory_space<vmem>>)
    %dma_wait3A_112 = arith.constant 0 : i32
    %dma_wait3A_113 = tpu.memref_slice %arg7[%dma_wait3A_112] : memref<6400000xf32, #tpu.memory_space<hbm>> -> memref<1024xf32, #tpu.memory_space<hbm>>
    %dma_wait3A_114 = arith.constant 0 : i32
    %dma_wait3A_115 = tpu.memref_slice %arg7[%dma_wait3A_114] : memref<6400000xf32, #tpu.memory_space<hbm>> -> memref<1024xf32, #tpu.memory_space<hbm>>
    tpu.wait_dma2 semaphore(%arg39 : memref<!tpu.dma_semaphore, #tpu.memory_space<semaphore_mem>>) src(%arg24 : memref<1024xf32, #tpu.memory_space<vmem>>) dst(%dma_wait3A_115 : memref<1024xf32, #tpu.memory_space<hbm>>)
    %dma_wait3A_116 = arith.constant 0 : i32
    %dma_wait3A_117 = tpu.memref_slice %arg7[%dma_wait3A_116] : memref<6400000xf32, #tpu.memory_space<hbm>> -> memref<1024xf32, #tpu.memory_space<hbm>>
    %dma_wait3A_118 = arith.constant 0 : i32
    %dma_wait3A_119 = tpu.memref_slice %arg7[%dma_wait3A_118] : memref<6400000xf32, #tpu.memory_space<hbm>> -> memref<1024xf32, #tpu.memory_space<hbm>>
    tpu.wait_dma2 semaphore(%arg40 : memref<!tpu.dma_semaphore, #tpu.memory_space<semaphore_mem>>) src(%arg25 : memref<1024xf32, #tpu.memory_space<vmem>>) dst(%dma_wait3A_119 : memref<1024xf32, #tpu.memory_space<hbm>>)
    %dma_wait3A_120 = arith.constant 0 : i32
    %dma_wait3A_121 = tpu.memref_slice %arg7[%dma_wait3A_120] : memref<6400000xf32, #tpu.memory_space<hbm>> -> memref<1024xf32, #tpu.memory_space<hbm>>
    %dma_wait3A_122 = arith.constant 0 : i32
    %dma_wait3A_123 = tpu.memref_slice %arg7[%dma_wait3A_122] : memref<6400000xf32, #tpu.memory_space<hbm>> -> memref<1024xf32, #tpu.memory_space<hbm>>
    tpu.wait_dma2 semaphore(%arg41 : memref<!tpu.dma_semaphore, #tpu.memory_space<semaphore_mem>>) src(%arg26 : memref<1024xf32, #tpu.memory_space<vmem>>) dst(%dma_wait3A_123 : memref<1024xf32, #tpu.memory_space<hbm>>)
    %dma_wait3A_124 = arith.constant 0 : i32
    %dma_wait3A_125 = tpu.memref_slice %arg7[%dma_wait3A_124] : memref<6400000xf32, #tpu.memory_space<hbm>> -> memref<1024xf32, #tpu.memory_space<hbm>>
    %dma_wait3A_126 = arith.constant 0 : i32
    %dma_wait3A_127 = tpu.memref_slice %arg7[%dma_wait3A_126] : memref<6400000xf32, #tpu.memory_space<hbm>> -> memref<1024xf32, #tpu.memory_space<hbm>>
    tpu.wait_dma2 semaphore(%arg42 : memref<!tpu.dma_semaphore, #tpu.memory_space<semaphore_mem>>) src(%arg27 : memref<1024xf32, #tpu.memory_space<vmem>>) dst(%dma_wait3A_127 : memref<1024xf32, #tpu.memory_space<hbm>>)
    return
  }
}

</mosaic_0001>

<sc_bundles>
// kernel: kernel.3.cloned.1.call-start
scs
__scs_entry_jumppad:
0x0: {  	(pc) =	sbr.rel $0x88, $3  }
0x1: {  	(tag) =	ssettag $0x0;
	lr =	simm.s32 $0x1  }
0x2: {  	[smem:$0x3F9D] =	sst lr;
	_ =	strace $0xD0000000  }
0x3: {  	_ = 	snop  }
0x4: {  	_ = 	snop  }
0x5: {  	_ = 	snop  }
0x6: {  	_ = 	snop  }
0x7: {  	_ = 	snop  }
__scs_overlays_trampoline_lowered:
0x8: {  	[smem:$0x3FAC] =	sst s0  }
0x9: {  	[smem:$0x3FAD] =	sst s1  }
0xa: {  	[smem:$0x3FAE] =	sst s2  }
0xb: {  	[smem:$0x3FAF] =	sst s3  }
0xc: {  	[smem:$0x3FB0] =	sst s4  }
0xd: {  	[smem:$0x3FB1] =	sst s5  }
0xe: {  	[smem:$0x3FB2] =	sst s6  }
0xf: {  	[smem:$0x3FB3] =	sst s7  }
0x10: {  	[smem:$0x3FB4] =	sst s8  }
0x11: {  	[smem:$0x3FB5] =	sst s9;
	s0 =	simm.s32 @!p0 $0x0  }
0x12: {  	s1 =	sld [smem:$0x3F9B];
	s0 =	simm.s32 @p0 $0x1  }
0x13: {  	[smem:$0x3FB6] =	sst s0;
	s0 =	simm.s32 @!p1 $0x0  }
0x14: {  	s2 =	sld [smem:$0x3F9A];
	s0 =	simm.s32 @p1 $0x1  }
0x15: {  	[smem:$0x3FB7] =	sst s0;
	s0 =	simm.s32 @!p2 $0x0  }
0x16: {  	s3 =	sld [smem:$0x3FDB];
	s0 =	simm.s32 @p2 $0x1  }
0x17: {  	s4 =	simm.s32 $0x1BF5;
	[smem:$0x3FB9] =	sst s0  }
0x18: {  	s0 =	sld [smem:$0x3F9C];
	_ =	swait.ge [sflag:s4], $0x0  }
0x19: {  	s7 =	sld [smem:$0x3F9D]  }
0x1a: {  	s8 =	sadd.s32 $0xFFFFE003, lr  }
0x1b: {  	s9 =	sadd.s32 $0xFFFFFEF7, lr;
	s5 =	simm.s32 $0xFFFFFFFF;
	p2 =	slt.u32 s8, $0xFFFFF086  }
0x1c: {  	p1 =	slt.u32 s9, $0xF7A;
	s5 =	simm.s32 @!p2 $0x0  }
0x1d: {  	s5 =	simm.s32 @p1 $0x1;
	p0 =	seq.s32 s7, s2  }
0x1e: {  	s7 =	smul.u32 @!p0 $0xF7A, s2;
	p2 =	seq.s32 @!p0 s5, $0x0  }
0x1f: {  	s9 =	smul.u32 $0xF7A, s1;
	s8 =	simm.s32 @!p0 $0x1BF5;
	p2 =	por !p2, p0  }
0x20: {  	[sflag:s8] =	ssyncset.s32 @!p0 $0xFFFFF086;
	s6 =	sadd.s32 @!p0 s3, s7;
	s7 =	simm.s32 @!p0 $0x108  }
0x21: {  	s3 =	sadd.s32 s3, s9;
	s6 =	sadd.s32 @!p0 $0x88, s6;
	s7 =	simm.s32 @p2 $0x1082  }
0x22: {  	[simem:s7], [sflag:s8] =	dma.local @!p0 [hbm:s6], $0xF7A  }
0x23: {  	s9 =	sor.u32 $0xD0000000, s2;
	s6 =	simm.s32 $0x108;
	_ =	swait.ge @!p0 [sflag:s8], $0x0  }
0x24: {  	s3 =	sadd.s32 $0x88, s3;
	s6 =	simm.s32 @!p1 $0x1082;
	[sflag:s4] =	ssyncset.s32 $0xFFFFF086  }
0x25: {  	[simem:s6], [sflag:s4] =	dma.local [hbm:s3], $0xF7A  }
0x26: {  	[smem:$0x3F9D] =	sst s1;
	(tag) =	ssettag s2;
	_ =	strace s9  }
0x27: {  	s1 =	sld [smem:$0x3FAD]  }
0x28: {  	s2 =	sld [smem:$0x3FAE]  }
0x29: {  	s4 =	sld [smem:$0x3FB0]  }
0x2a: {  	p0 =	seq.s32 s5, $0x0;
	s5 =	sld [smem:$0x3FB1]  }
0x2b: {  	s6 =	sld [smem:$0x3FB2]  }
0x2c: {  	s7 =	sld [smem:$0x3FB3]  }
0x2d: {  	s3 =	simm.s32 $0x108;
	s8 =	sld [smem:$0x3FB4]  }
0x2e: {  	s3 =	simm.s32 @!p0 $0x1082;
	s9 =	sld [smem:$0x3FB5]  }
0x2f: {  	lr =	sadd.s32 s0, s3;
	s0 =	sld [smem:$0x3FAC]  }
0x30: {  	s3 =	sld [smem:$0x3FAF]  }
0x31: {  	[smem:$0x3FB8] =	sst s10  }
0x32: {  	s10 =	sld [smem:$0x3FB6];
	_ =	sdelay $0x3  }
0x33: {  	p0 =	seq.s32 s10, $0x1;
	s10 =	sld [smem:$0x3FB8];
	_ =	sdelay $0x3  }
0x34: {  	[smem:$0x3FB8] =	sst s10  }
0x35: {  	s10 =	sld [smem:$0x3FB7];
	_ =	sdelay $0x3  }
0x36: {  	p1 =	seq.s32 s10, $0x1;
	s10 =	sld [smem:$0x3FB8];
	_ =	sdelay $0x3  }
0x37: {  	[smem:$0x3FB8] =	sst s10  }
0x38: {  	s10 =	sld [smem:$0x3FB9]  }
0x39: {  	_ = 	snop;
	(pc) =	sbr.ind lr, $3  }
0x3a: {  	_ = 	snop  }
0x3b: {  	_ = 	snop  }
0x3c: {  	p2 =	seq.s32 s10, $0x1;
	s10 =	sld [smem:$0x3FB8]  }
0x3d: {  	_ =	shalt  }
0x3e: {  	_ =	shalt  }
0x3f: {  	_ =	shalt  }
0x40: {  	_ =	shalt  }
0x41: {  	_ =	shalt  }
0x42: {  	_ =	shalt  }
0x43: {  	_ =	shalt  }
0x44: {  	_ =	shalt  }
0x45: {  	_ =	shalt  }
0x46: {  	_ =	shalt  }
0x47: {  	_ =	shalt  }
0x48: {  	_ =	shalt  }
0x49: {  	_ =	shalt  }
0x4a: {  	_ =	shalt  }
0x4b: {  	_ =	shalt  }
0x4c: {  	_ =	shalt  }
0x4d: {  	_ =	shalt  }
0x4e: {  	_ =	shalt  }
0x4f: {  	_ =	shalt  }
0x50: {  	_ =	shalt  }
0x51: {  	_ =	shalt  }
0x52: {  	_ =	shalt  }
0x53: {  	_ =	shalt  }
0x54: {  	_ =	shalt  }
0x55: {  	_ =	shalt  }
0x56: {  	_ =	shalt  }
0x57: {  	_ =	shalt  }
0x58: {  	_ =	shalt  }
0x59: {  	_ =	shalt  }
0x5a: {  	_ =	shalt  }
0x5b: {  	_ =	shalt  }
0x5c: {  	_ =	shalt  }
0x5d: {  	_ =	shalt  }
0x5e: {  	_ =	shalt  }
0x5f: {  	_ =	shalt  }
0x60: {  	_ =	shalt  }
0x61: {  	_ =	shalt  }
0x62: {  	_ =	shalt  }
0x63: {  	_ =	shalt  }
0x64: {  	_ =	shalt  }
0x65: {  	_ =	shalt  }
0x66: {  	_ =	shalt  }
0x67: {  	_ =	shalt  }
0x68: {  	_ =	shalt  }
0x69: {  	_ =	shalt  }
0x6a: {  	_ =	shalt  }
0x6b: {  	_ =	shalt  }
0x6c: {  	_ =	shalt  }
0x6d: {  	_ =	shalt  }
0x6e: {  	_ =	shalt  }
0x6f: {  	_ =	shalt  }
0x70: {  	_ =	shalt  }
0x71: {  	_ =	shalt  }
0x72: {  	_ =	shalt  }
0x73: {  	_ =	shalt  }
0x74: {  	_ =	shalt  }
0x75: {  	_ =	shalt  }
0x76: {  	_ =	shalt  }
0x77: {  	_ =	shalt  }
0x78: {  	_ =	shalt  }
0x79: {  	_ =	shalt  }
0x7a: {  	_ =	shalt  }
0x7b: {  	_ =	shalt  }
0x7c: {  	_ =	shalt  }
0x7d: {  	_ =	shalt  }
0x7e: {  	_ =	shalt  }
0x7f: {  	_ =	shalt  }
0x80: {  	_ =	shalt  }
0x81: {  	_ =	shalt  }
0x82: {  	_ =	shalt  }
0x83: {  	_ =	shalt  }
0x84: {  	_ =	shalt  }
0x85: {  	_ =	shalt  }
0x86: {  	_ =	shalt  }
0x87: {  	_ =	shalt  }
.Lfunc_end0:
.L_simem_size_0:
called_computation_lowered:
.L_overlay_start_0:
0x88: {  	s2 =	sld [smem:$0x3FD9]  }
0x89: {  	s3 =	sld [smem:$0x3FFE];
	_ =	sdelay $0x1  }
0x8a: {  	s1 =	srdreg.scid  }
0x8b: {  	s0 =	sand.u32 $0x1, s1  }
0x8c: {  	s17 =	sshll.u32 s0, $0xA;
	s2 =	sadd.s32 s3, s2  }
0x8d: {  	s2 =	sadd.s32 s2, s17  }
0x8e: {  	[smem:$0x3FC4] =	sst s2  }
0x8f: {  	_ = 	snop  }
0x90: {  	s2 =	sld [smem:$0x3FD0];
	(tm) =	ssettm $0x1  }
0x91: {  	s18 =	sld [smem:$0x3FFB];
	_ =	sdelay $0x3  }
0x92: {  	_ =	strace s18  }
0x93: {  	s3 =	sld [smem:$0x3FFC];
	_ =	sdelay $0x3  }
0x94: {  	_ =	strace s3  }
0x95: {  	s3 =	sld [smem:$0x3FFD];
	_ =	sdelay $0x3  }
0x96: {  	_ =	strace s3  }
0x97: {  	_ =	strace $0x8FFFFFFF  }
0x98: {  	s19 =	sld [smem:$0x3FDB];
	_ =	sdelay $0x1  }
0x99: {  	s4 =	simm.s32 $_scs_section_size  }
0x9a: {  	s5 =	simm.s32 $_size__tile_overlayer_lowered;
	s6 =	simm.s32 $_tile_overlayer_lowered  }
0x9b: {  	s22 =	simm.s32 $0x1BFF;
	s21 =	sshll.u32 s6, $0x1;
	s3 =	sadd.s32 s4, s19  }
0x9c: {  	s7 =	simm.s32 $0x0;
	s20 =	sshll.u32 s5, $0x1;
	s5 =	sadd.s32 s21, s3  }
0x9d: {  	[timem:s7], [sflag:s22] =	dma.local [hbm:s5], s20  }
0x9e: {  	_ =	swait.ge [sflag:s22], s20  }
0x9f: {  	s4 =	ssub.s32 $0x0, s20;
	[sflag:s22] =	ssyncset.done $0x0  }
0xa0: {  	[sflag:s22] =	ssyncadd.s32 s4;
	_ =	sdelay $0x1  }
0xa1: {  	s23 =	simm.s32 $0x1B8B  }
0xa2: {  	_ =	swait.ge [sflag:s23], $0x1  }
0xa3: {  	[sflag:s23] =	ssyncset.done $0x0  }
0xa4: {  	s25 =	simm.s32 $0x1B8E;
	s24 =	sld [smem:$0x3FFE];
	[sflag:s23] =	ssyncadd.s32 $0xFFFFFFFF  }
0xa5: {  	s26 =	simm.s32 $execute0_lowered;
	[smem:$0x3FD2] =	sst s25  }
0xa6: {  	s5 =	sshll.u32 s26, $0x1;
	_ =	strace $0x80000046;
	[dreg:$0x1] =	wrdreg $0xFFFFFFFF  }
0xa7: {  	s28 =	simm.s32 $_size_execute0_lowered;
	s3 =	sadd.s32 s3, s5;
	[dreg:$0x0] =	wrdreg $0x0  }
0xa8: {  	s5 =	sshll.u32 s28, $0x1;
	[dreg:$0x2] =	wrdreg s3  }
0xa9: {  	[dreg:$0x3] =	wrdreg s5  }
0xaa: {  	[dreg:$0x4] =	wrdreg $0xC0  }
0xab: {  	_ =	task [dreg:s7], $0x5FFFF  }
0xac: {  	[dreg:$0x1] =	wrdreg $0xFFFFFFFF  }
0xad: {  	[dreg:$0x0] =	wrdreg $0x60  }
0xae: {  	[dreg:$0x2] =	wrdreg s24  }
0xaf: {  	[dreg:$0x3] =	wrdreg s2  }
0xb0: {  	[dreg:$0x4] =	wrdreg $0x130200  }
0xb1: {  	[dreg:$0x5] =	wrdreg $0x9  }
0xb2: {  	_ =	task.clear_ibuf [dreg:s7], $0x6FFFF;
	_ =	strace $0x90000046  }
0xb3: {  	s29 =	simm.s32 $0x9;
	_ =	strace $0x80000048  }
0xb4: {  	_ =	swait.ge [sflag:s29], $0x1  }
0xb5: {  	[sflag:s29] =	ssyncadd.s32 $0xFFFFFFFF  }
0xb6: {  	_ =	strace $0x90000048  }
0xb7: {  	_ =	sfence  }
0xb8: {  	s30 =	sld [smem:$0x0];
	_ =	sdelay $0x2  }
0xb9: {  	s31 =	sshll.u32 s1, $0xD;
	s1 =	sshrl.u32 s1, $0x2  }
0xba: {  	s3 =	sand.u32 $0x4000, s31;
	s1 =	sadd.s32 s1, s30  }
0xbb: {  	s0 =	sor.u32 s3, s0;
	s1 =	sshll.u32 s1, $0x11  }
0xbc: {  	s0 =	sor.u32 s1, s0  }
0xbd: {  	s0 =	sadd.s32 $0x8F2B, s0  }
0xbe: {  	[sflag:s0] =	ssyncadd.remote.s32 $0x1  }
0xbf: {  	_ =	sfence.sel $0xFFFF  }
0xc0: {  	[dreg:$0x0] =	wrdreg $0xFFFFFFFF;
	(pc) =	sbr.abs _section_cstart, $3  }
0xc1: {  	[dreg:$0x1] =	wrdreg $0xFFFFFFFF  }
0xc2: {  	_ =	task.clear_ibuf [dreg:s7], $0x2FFFF;
	_ =	strace $0x9FFFFFFF  }
0xc3: {  	(tm) =	ssettm $0x7FFFFFFF  }
tec
execute0_lowered:
.L_overlay_start_1:
0x0: {  	(tag) =	ssettag $0x1  }
0x1: {  	s0 =	rddreg [dreg:$0x0]  }
0x2: {  	s1 =	rddreg [dreg:$0x1]  }
0x3: {  	s2 =	rddreg [dreg:$0x2];
	s3 =	simm.s32 $0x0  }
0x4: {  	s4 =	srdreg.scid;
	s7 =	stileid.u32;
	s21 =	simm.s32 $0x2000  }
0x5: {  	s13 =	simm.s32 $0x3;
	s14 =	simm.s32 $0x6000;
	s15 =	simm.s32 $0xE000  }
0x6: {  	s16 =	simm.s32 $0x6;
	s18 =	simm.s32 $0x4;
	s19 =	simm.s32 $0x8000  }
0x7: {  	s20 =	simm.s32 $0x10000;
	s17 =	simm.s32 $0x8;
	s29 =	simm.s32 $0x0  }
0x8: {  	[smem:$0x7FF] =	sst s3;
	s4 =	sand.u32 $0x1, s4;
	s5 =	sshll.u32 s7, $0x1  }
0x9: {  	s6 =	sadd.s32 $0x600, s0;
	s10 =	sadd.s32 $0x19FC00, s0;
	p0 =	slt.u32 s7, $0x5  }
0xa: {  	_ =	strace $0x80000047;
	[dreg:$0x4] =	wrdreg s6;
	s8 =	sor.u32 s4, s5  }
0xb: {  	s5 =	sadd.s32 $0xDC400, s0;
	s6 =	sadd.s32 $0x18E00, s0;
	[dreg:$0x5] =	wrdreg s10  }
0xc: {  	s4 =	ssub.s32 $0x2, s4;
	s0 =	sadd.s32 $0x19FE00, s0;
	s10 =	simm.s32 $0xC3  }
0xd: {  	s9 =	smul.u32 $0xC3, s8;
	s8 =	smin.u32 s8, $0xA;
	[dreg:$0x6] =	wrdreg s0  }
0xe: {  	s22 =	sshrl.u32 s4, $0x1;
	s10 =	simm.s32 @!p0 $0xC2;
	p0 =	sne.s32 s7, $0x0  }
0xf: {  	s7 =	simm.s32 $0x4000;
	s0 =	ssub.s32 s4, s22;
	s9 =	sadd.s32 s8, s9  }
0x10: {  	s22 =	simm.s32 $0x7;
	s0 =	smax.u32 s0, $0x1;
	s8 =	sshll.u32 s9, $0x7  }
0x11: {  	[dreg:$0xf] =	wrdreg s0;
	s0 =	sshrl.u32 @!p0 s2, $0x3;
	s23 =	sadd.s32 $0x80, s8  }
0x12: {  	s11 =	sadd.s32 s5, s8;
	s24 =	sadd.s32 s6, s8;
	[dreg:$0x10] =	wrdreg s0  }
0x13: {  	s26 =	sadd.s32 $0x100, s8;
	s8 =	sadd.s32 $0x180, s8;
	[dreg:$0x7] =	wrdreg s11  }
0x14: {  	s0 =	simm.s32 $0x1;
	[dreg:$0x8] =	wrdreg s24;
	s25 =	sadd.s32 s5, s23  }
0x15: {  	s4 =	sadd.s32 s6, s23;
	s28 =	sadd.s32 s5, s26;
	[dreg:$0x9] =	wrdreg s25  }
0x16: {  	s30 =	sadd.s32 s5, s8;
	s31 =	sadd.s32 s6, s8;
	[dreg:$0xa] =	wrdreg s4  }
0x17: {  	s24 =	simm.s32 $0x1000;
	s23 =	simm.s32 $0xA000;
	[dreg:$0xb] =	wrdreg s28  }
0x18: {  	s8 =	simm.s32 $0xC000;
	s11 =	simm.s32 $0x5;
	[dreg:$0xd] =	wrdreg s30  }
0x19: {  	v0 =	vlaneseq.u32;
	s4 =	sadd.s32 s6, s26;
	[dreg:$0xe] =	wrdreg s31;
	s25 =	simm.s32 $0x400  }
0x1a: {  	v0 =	vmul.u32 $0x8, v0;
	s26 =	simm.s32 $0x1400;
	[dreg:$0xc] =	wrdreg s4;
	s4 =	simm.s32 $0x2  }
.LBB2_1:
0x1b: {  	[dreg:$0x11] =	wrdreg s29  }
0x1c: {  	s28 =	rddreg [dreg:$0x4]  }
0x1d: {  	s12 =	simm.s32 @!p0 $0x1C0D;
	s29 =	rddreg [dreg:$0x10]  }
0x1e: {  	[spmem:s29], [sflag:s12] =	dma.local @!p0 [hbm:s28], $0x186A0  }
0x1f: {  	s12 =	simm.s32 @!p0 $0xD  }
0x20: {  	_ =	swait.ge @!p0 [sflag:s12], $0x186A0  }
0x21: {  	[sflag:s12] =	ssyncset.done @!p0 $0x0  }
0x22: {  	[sflag:s12] =	ssyncadd.s32 @!p0 $0xFFFE7960  }
0x23: {  	[bflag:$0x0] =	sbarrier.arrive $0xFFFF  }
0x24: {  	s29 =	simm.s32 $0x13000;
	s28 =	simm.s32 $0xD;
	s31 =	rddreg [dreg:$0x5]  }
0x25: {  	[tilespmem:s29], [sflag:$0xD] =	stream.linear.gather [hbm4b:s31+s3], $0x10, $0x38;
	[tilespmem:$0x1F370] =	vst v63  }
0x26: {  	_ =	swait.ge [sflag:s28], $0x10  }
0x27: {  	[sflag:s28] =	ssyncset.done $0x0  }
0x28: {  	s31 =	simm.s32 $0x13010;
	s30 =	rddreg [dreg:$0x6];
	[sflag:s28] =	ssyncadd.s32 $0xFFFFFFF0  }
0x29: {  	[tilespmem:s31], [sflag:$0xD] =	stream.linear.gather [hbm4b:s30+s3], $0x10, $0x38;
	[tilespmem:$0x1F370] =	vst v63  }
0x2a: {  	_ =	swait.ge [sflag:s28], $0x10  }
0x2b: {  	[sflag:s28] =	ssyncset.done $0x0  }
0x2c: {  	[sflag:s28] =	ssyncadd.s32 $0xFFFFFFF0  }
0x2d: {  	s30 =	rddreg [dreg:$0x7];
	v1 =	vld [tilespmem:$0x13000]  }
0x2e: {  	v2 =	vld [tilespmem:$0x13010];
	[tilespmem:s3], [sflag:$0x1] =	stream.linear.gather [hbm4b:s30+s3], $0x400, $0x38  }
0x2f: {  	s31 =	rddreg [dreg:$0x8]  }
0x30: {  	[tilespmem:s24], [sflag:$0x1] =	stream.linear.gather [hbm4b:s31+s3], $0x400, $0x38;
	[tilespmem:$0x1F370] =	vst v63  }
0x31: {  	s28 =	rddreg [dreg:$0x9]  }
0x32: {  	[tilespmem:s25], [sflag:$0x2] =	stream.linear.gather [hbm4b:s28+s3], $0x400, $0x38;
	[tilespmem:$0x1F370] =	vst v63  }
0x33: {  	s29 =	rddreg [dreg:$0xa]  }
0x34: {  	[tilespmem:s26], [sflag:$0x2] =	stream.linear.gather [hbm4b:s29+s3], $0x400, $0x38;
	[tilespmem:$0x1F370] =	vst v63  }
0x35: {  	s30 =	rddreg [dreg:$0xb];
	s31 =	simm.s32 $0x800  }
0x36: {  	[tilespmem:s31], [sflag:$0x3] =	stream.linear.gather [hbm4b:s30+s3], $0x400, $0x38;
	[tilespmem:$0x1F370] =	vst v63  }
0x37: {  	s29 =	rddreg [dreg:$0xc];
	s30 =	simm.s32 $0x1800  }
0x38: {  	[tilespmem:s30], [sflag:$0x3] =	stream.linear.gather [hbm4b:s29+s3], $0x400, $0x38;
	[tilespmem:$0x1F370] =	vst v63  }
0x39: {  	s31 =	rddreg [dreg:$0xd];
	s29 =	simm.s32 $0xC00  }
0x3a: {  	[tilespmem:s29], [sflag:$0x4] =	stream.linear.gather [hbm4b:s31+s3], $0x400, $0x38;
	[tilespmem:$0x1F370] =	vst v63  }
0x3b: {  	s30 =	rddreg [dreg:$0xe];
	s31 =	simm.s32 $0x1C00  }
0x3c: {  	[tilespmem:s31], [sflag:$0x4] =	stream.linear.gather [hbm4b:s30+s3], $0x400, $0x38;
	[tilespmem:$0x1F370] =	vst v63  }
0x3d: {  	_ =	swait.ge [sflag:s0], $0x400  }
0x3e: {  	[sflag:s0] =	ssyncset.done $0x0  }
0x3f: {  	[sflag:s0] =	ssyncadd.s32 $0xFFFFFC00  }
0x40: {  	_ =	swait.ge [sflag:s0], $0x400  }
0x41: {  	[sflag:s0] =	ssyncset.done $0x0  }
0x42: {  	[sflag:s0] =	ssyncadd.s32 $0xFFFFFC00  }
0x43: {  	[tilespmem:s21], [sflag:$0x5] =	stream.indirect.gather [spmem:s2], $0x8, s3, s25, $0xb8;
	[tilespmem:$0x1F370] =	vst v63  }
0x44: {  	_ = 	snop  }
0x45: {  	[tilespmem:s23], [sflag:$0x5] =	stream.indirect.gather [spmem:s2], $0x8, s24, s25, $0xb8;
	[tilespmem:$0x1F370] =	vst v63  }
0x46: {  	_ =	swait.ge [sflag:s4], $0x400  }
0x47: {  	[sflag:s4] =	ssyncset.done $0x0  }
0x48: {  	[sflag:s4] =	ssyncadd.s32 $0xFFFFFC00  }
0x49: {  	_ =	swait.ge [sflag:s4], $0x400  }
0x4a: {  	[sflag:s4] =	ssyncset.done $0x0  }
0x4b: {  	[sflag:s4] =	ssyncadd.s32 $0xFFFFFC00  }
0x4c: {  	[tilespmem:s7], [sflag:$0x6] =	stream.indirect.gather [spmem:s2], $0x8, s25, s25, $0xb8;
	[tilespmem:$0x1F370] =	vst v63  }
0x4d: {  	s12 =	simm.s32 $0x0  }
0x4e: {  	v1 =	vmul.f32 v1, v1;
	v2 =	vmul.f32 v2, v2;
	[tilespmem:s8], [sflag:$0x6] =	stream.indirect.gather [spmem:s2], $0x8, s26, s25, $0xb8;
	[tilespmem:$0x1F370] =	vst v63  }
.LBB2_2:
0x4f: {  	_ =	swait.ge [sflag:s11], $0x2000;
	s28 =	simm.s32 $0x0  }
0x50: {  	[sflag:s11] =	ssyncset.done $0x0;
	v3 =	vmov s28  }
0x51: {  	[sflag:s11] =	ssyncadd.s32 $0xFFFFE000;
	v3 =	vshll.u32 v3, $0x3  }
0x52: {  	_ =	swait.ge [sflag:s11], $0x2000;
	v3 =	vor.u32 v0, v3  }
0x53: {  	p1 =	seq.s32 s12, $0x0;
	[sflag:s11] =	ssyncset.done $0x0;
	v4 =	vor.u32 $0x2, v3  }
0x54: {  	s28 =	simm.s32 @!p1 $0x9;
	[sflag:s11] =	ssyncadd.s32 $0xFFFFE000  }
0x55: {  	_ =	swait.ge @!p1 [sflag:s28], $0x400  }
0x56: {  	v5 =	vor.u32 $0x1, v3;
	[sflag:s28] =	ssyncset.done @!p1 $0x0  }
0x57: {  	[sflag:s28] =	ssyncadd.s32 @!p1 $0xFFFFFC00  }
0x58: {  	v7 =	vor.u32 $0x3, v3;
	v6 =	vld.idx.msk [tilespmem:v4+s21+$0x0], $0xffff  }
0x59: {  	v8 =	vld.idx.msk [tilespmem:v3+s23+$0x0], $0xffff  }
0x5a: {  	v10 =	vor.u32 $0x4, v3;
	v9 =	vld.idx.msk [tilespmem:v3+s21+$0x0], $0xffff  }
0x5b: {  	v11 =	vld.idx.msk [tilespmem:v5+s21+$0x0], $0xffff  }
0x5c: {  	v5 =	vld.idx.msk [tilespmem:v5+s23+$0x0], $0xffff;
	v3 =	vor.u32 $0x5, v3  }
0x5d: {  	v12 =	vld.idx.msk [tilespmem:v7+s21+$0x0], $0xffff  }
0x5e: {  	v7 =	vld.idx.msk [tilespmem:v7+s23+$0x0], $0xffff  }
0x5f: {  	v13 =	vld.idx.msk [tilespmem:v10+s21+$0x0], $0xffff  }
0x60: {  	v10 =	vld.idx.msk [tilespmem:v10+s23+$0x0], $0xffff  }
0x61: {  	v14 =	vld.idx.msk [tilespmem:v3+s21+$0x0], $0xffff  }
0x62: {  	v3 =	vld.idx.msk [tilespmem:v3+s23+$0x0], $0xffff  }
0x63: {  	v4 =	vld.idx.msk [tilespmem:v4+s23+$0x0], $0xffff;
	_ =	sdelay $0x1  }
0x64: {  	v7 =	vmul.f32 v7, v12;
	v10 =	vmul.f32 v10, v13  }
0x65: {  	v8 =	vsub.f32 v9, v8  }
0x66: {  	v5 =	vsub.f32 v11, v5;
	v7 =	vadd.f32 v10, v7;
	v3 =	vmul.f32 v3, v14  }
0x67: {  	v4 =	vsub.f32 v6, v4  }
0x68: {  	v6 =	vmul.f32 v8, v8;
	v5 =	vmul.f32 v5, v5;
	v3 =	vadd.f32 v3, v7;
	_ =	sdelay $0x1  }
0x69: {  	v4 =	vmul.f32 v4, v4;
	v5 =	vadd.f32 v5, v6;
	v3 =	vsub.f32 $1.000000000e+00, v3;
	_ =	sdelay $0x1  }
0x6a: {  	v4 =	vadd.f32 v4, v5;
	v3 =	vmul.f32 v3, v3;
	_ =	sdelay $0x1  }
0x6b: {  	v4 =	vmul.f32 v4, v1;
	v3 =	vmul.f32 v3, v2;
	_ =	sdelay $0x1  }
0x6c: {  	v3 =	vadd.f32 v3, v4;
	_ =	sdelay $0x1  }
0x6d: {  	v3 =	vsub.f32 $0.0e+00, v3;
	_ =	sdelay $0x1  }
0x6e: {  	v3 =	vmul.f32 $1.442695020e+00, v3;
	_ =	sdelay $0x1  }
0x6f: {  	(erf) = vpow2.f32 v3;
	_ =	sdelay $0x1  }
0x70: {  	s28 =	simm.s32 $0x10  }
0x71: {  	v3 =	vmov s28  }
0x72: {  	v3 =	vshll.u32 v3, $0x3  }
0x73: {  	v5 =	vor.u32 v0, v3  }
0x74: {  	v4 =	vor.u32 $0x2, v5;
	_ =	sdelay $0x2  }
0x75: {  	s29 =	simm.s32 $0x12000;
	v6 =	vor.u32 $0x1, v5;
	v3 =	vpop (erf)  }
0x76: {  	[tilespmem:s29+$0x0] =	vst v3  }
0x77: {  	s30 =	simm.s32 $0x20;
	s28 =	sshll.u32 s12, $0x2;
	v7 =	vor.u32 $0x3, v5;
	v3 =	vld.idx.msk [tilespmem:v4+s21+$0x0], $0xffff  }
.LBB2_3:
0x78: {  	p2 =	sne.s32 s30, $0x3F0;
	v8 =	vld.idx.msk [tilespmem:v5+s23+$0x0], $0xffff  }
0x79: {  	v10 =	vor.u32 $0x4, v5;
	v9 =	vld.idx.msk [tilespmem:v5+s21+$0x0], $0xffff  }
0x7a: {  	v11 =	vld.idx.msk [tilespmem:v6+s21+$0x0], $0xffff  }
0x7b: {  	v5 =	vor.u32 $0x5, v5;
	v6 =	vld.idx.msk [tilespmem:v6+s23+$0x0], $0xffff  }
0x7c: {  	v12 =	vld.idx.msk [tilespmem:v7+s21+$0x0], $0xffff  }
0x7d: {  	v7 =	vld.idx.msk [tilespmem:v7+s23+$0x0], $0xffff  }
0x7e: {  	v13 =	vld.idx.msk [tilespmem:v10+s21+$0x0], $0xffff  }
0x7f: {  	v10 =	vld.idx.msk [tilespmem:v10+s23+$0x0], $0xffff  }
0x80: {  	v14 =	vld.idx.msk [tilespmem:v5+s21+$0x0], $0xffff  }
0x81: {  	v5 =	vld.idx.msk [tilespmem:v5+s23+$0x0], $0xffff  }
0x82: {  	v4 =	vld.idx.msk [tilespmem:v4+s23+$0x0], $0xffff;
	_ =	sdelay $0x2  }
0x83: {  	v7 =	vmul.f32 v7, v12;
	v10 =	vmul.f32 v10, v13  }
0x84: {  	v8 =	vsub.f32 v9, v8  }
0x85: {  	v6 =	vsub.f32 v11, v6;
	v7 =	vadd.f32 v10, v7;
	v5 =	vmul.f32 v5, v14  }
0x86: {  	v3 =	vsub.f32 v3, v4  }
0x87: {  	v6 =	vmul.f32 v6, v6;
	v4 =	vmul.f32 v8, v8;
	v5 =	vadd.f32 v5, v7;
	_ =	sdelay $0x1  }
0x88: {  	v4 =	vadd.f32 v6, v4;
	v3 =	vmul.f32 v3, v3;
	v5 =	vsub.f32 $1.000000000e+00, v5;
	_ =	sdelay $0x1  }
0x89: {  	v3 =	vadd.f32 v3, v4;
	v4 =	vmul.f32 v5, v5;
	_ =	sdelay $0x1  }
0x8a: {  	v3 =	vmul.f32 v3, v1;
	v4 =	vmul.f32 v4, v2;
	_ =	sdelay $0x1  }
0x8b: {  	v3 =	vadd.f32 v4, v3;
	_ =	sdelay $0x1  }
0x8c: {  	v3 =	vsub.f32 $0.0e+00, v3;
	_ =	sdelay $0x1  }
0x8d: {  	v3 =	vmul.f32 $1.442695020e+00, v3;
	_ =	sdelay $0x1  }
0x8e: {  	(erf) = vpow2.f32 v3;
	_ =	sdelay $0x2  }
0x8f: {  	v3 =	vmov s30  }
0x90: {  	v3 =	vshll.u32 v3, $0x3  }
0x91: {  	v5 =	vor.u32 v0, v3  }
0x92: {  	v4 =	vor.u32 $0x2, v5  }
.Ltmp0:
0x93: {  	(pc) =	sbr.rel @p2 .LBB2_3-.Ltmp0, $4  }
0x94: {  	_ = 	snop  }
0x95: {  	s29 =	sadd.s32 $0x10, s29;
	v6 =	vor.u32 $0x1, v5;
	v3 =	vpop (erf)  }
0x96: {  	[tilespmem:s29+$0x0] =	vst v3  }
0x97: {  	s30 =	sadd.s32 $0x10, s30;
	v7 =	vor.u32 $0x3, v5;
	v3 =	vld.idx.msk [tilespmem:v4+s21+$0x0], $0xffff  }
0x98: {  	_ =	sdelay $0x3  }
0x99: {  	v8 =	vld.idx.msk [tilespmem:v5+s23+$0x0], $0xffff  }
0x9a: {  	v9 =	vld.idx.msk [tilespmem:v5+s21+$0x0], $0xffff;
	v10 =	vor.u32 $0x4, v5  }
0x9b: {  	v11 =	vld.idx.msk [tilespmem:v6+s21+$0x0], $0xffff  }
0x9c: {  	v6 =	vld.idx.msk [tilespmem:v6+s23+$0x0], $0xffff;
	v5 =	vor.u32 $0x5, v5  }
0x9d: {  	v12 =	vld.idx.msk [tilespmem:v7+s21+$0x0], $0xffff  }
0x9e: {  	v7 =	vld.idx.msk [tilespmem:v7+s23+$0x0], $0xffff  }
0x9f: {  	v13 =	vld.idx.msk [tilespmem:v10+s21+$0x0], $0xffff  }
0xa0: {  	v10 =	vld.idx.msk [tilespmem:v10+s23+$0x0], $0xffff  }
0xa1: {  	v14 =	vld.idx.msk [tilespmem:v5+s21+$0x0], $0xffff  }
0xa2: {  	v5 =	vld.idx.msk [tilespmem:v5+s23+$0x0], $0xffff  }
0xa3: {  	v4 =	vld.idx.msk [tilespmem:v4+s23+$0x0], $0xffff;
	_ =	sdelay $0x1  }
0xa4: {  	v7 =	vmul.f32 v7, v12;
	v10 =	vmul.f32 v10, v13  }
0xa5: {  	v8 =	vsub.f32 v9, v8  }
0xa6: {  	v6 =	vsub.f32 v11, v6;
	v5 =	vmul.f32 v5, v14;
	v7 =	vadd.f32 v10, v7  }
0xa7: {  	v3 =	vsub.f32 v3, v4  }
0xa8: {  	v4 =	vmul.f32 v8, v8;
	v6 =	vmul.f32 v6, v6;
	v5 =	vadd.f32 v5, v7;
	_ =	sdelay $0x1  }
0xa9: {  	v3 =	vmul.f32 v3, v3;
	v4 =	vadd.f32 v6, v4;
	v5 =	vsub.f32 $1.000000000e+00, v5;
	_ =	sdelay $0x1  }
0xaa: {  	v3 =	vadd.f32 v3, v4;
	v4 =	vmul.f32 v5, v5;
	_ =	sdelay $0x1  }
0xab: {  	v3 =	vmul.f32 v3, v1;
	v4 =	vmul.f32 v4, v2;
	_ =	sdelay $0x1  }
0xac: {  	v3 =	vadd.f32 v4, v3;
	_ =	sdelay $0x1  }
0xad: {  	v3 =	vsub.f32 $0.0e+00, v3;
	_ =	sdelay $0x1  }
0xae: {  	v3 =	vmul.f32 $1.442695020e+00, v3;
	_ =	sdelay $0x1  }
0xaf: {  	(erf) = vpow2.f32 v3;
	_ =	sdelay $0x6  }
0xb0: {  	s30 =	sadd.s32 s9, s28  }
0xb1: {  	s30 =	sshll.u32 s30, $0x7  }
0xb2: {  	s29 =	sadd.s32 $0x10, s29;
	s30 =	sand.u32 $0x1FFFFF80, s30;
	v3 =	vpop (erf)  }
0xb3: {  	[tilespmem:s29+$0x0] =	vst v3;
	s29 =	sadd.s32 s1, s30;
	s30 =	simm.s32 $0x12000  }
0xb4: {  	[hbm4b:s29+s3] =	stream.linear.scatter [tilespmem:s30], [sflag:$0x9], $0x400, $0x38;
	[tilespmem:$0x1F370] =	vst v63  }
0xb5: {  	s29 =	sadd.s32 $0x4, s28  }
0xb6: {  	s29 =	smin.u32 s29, s10  }
0xb7: {  	s29 =	sadd.s32 s9, s29  }
0xb8: {  	s29 =	sshll.u32 s29, $0x7  }
0xb9: {  	s30 =	sadd.s32 s5, s29  }
0xba: {  	[tilespmem:s3], [sflag:$0x1] =	stream.linear.gather [hbm4b:s30+s3], $0x400, $0x38;
	[tilespmem:$0x1F370] =	vst v63  }
0xbb: {  	s29 =	sadd.s32 s6, s29  }
0xbc: {  	[tilespmem:s24], [sflag:$0x1] =	stream.linear.gather [hbm4b:s29+s3], $0x400, $0x38;
	[tilespmem:$0x1F370] =	vst v63  }
0xbd: {  	_ =	swait.ge [sflag:s13], $0x400  }
0xbe: {  	[sflag:s13] =	ssyncset.done $0x0  }
0xbf: {  	[sflag:s13] =	ssyncadd.s32 $0xFFFFFC00  }
0xc0: {  	_ =	swait.ge [sflag:s13], $0x400  }
0xc1: {  	[sflag:s13] =	ssyncset.done $0x0  }
0xc2: {  	s29 =	simm.s32 $0x800;
	[sflag:s13] =	ssyncadd.s32 $0xFFFFFC00  }
0xc3: {  	[tilespmem:s14], [sflag:$0x7] =	stream.indirect.gather [spmem:s2], $0x8, s29, s25, $0xb8;
	[tilespmem:$0x1F370] =	vst v63  }
0xc4: {  	s29 =	simm.s32 $0x1800  }
0xc5: {  	[tilespmem:s15], [sflag:$0x7] =	stream.indirect.gather [spmem:s2], $0x8, s29, s25, $0xb8;
	[tilespmem:$0x1F370] =	vst v63  }
0xc6: {  	s29 =	simm.s32 $0x0;
	_ =	swait.ge [sflag:s16], $0x2000  }
0xc7: {  	v3 =	vmov s29;
	[sflag:s16] =	ssyncset.done $0x0  }
0xc8: {  	v3 =	vshll.u32 v3, $0x3;
	[sflag:s16] =	ssyncadd.s32 $0xFFFFE000  }
0xc9: {  	v3 =	vor.u32 v0, v3;
	_ =	swait.ge [sflag:s16], $0x2000  }
0xca: {  	v4 =	vor.u32 $0x2, v3;
	[sflag:s16] =	ssyncset.done $0x0  }
0xcb: {  	s29 =	simm.s32 @!p1 $0xA;
	[sflag:s16] =	ssyncadd.s32 $0xFFFFE000  }
0xcc: {  	_ =	swait.ge @!p1 [sflag:s29], $0x400  }
0xcd: {  	v5 =	vor.u32 $0x1, v3;
	[sflag:s29] =	ssyncset.done @!p1 $0x0  }
0xce: {  	[sflag:s29] =	ssyncadd.s32 @!p1 $0xFFFFFC00  }
0xcf: {  	v7 =	vor.u32 $0x3, v3;
	v6 =	vld.idx.msk [tilespmem:v4+s7+$0x0], $0xffff  }
0xd0: {  	v8 =	vld.idx.msk [tilespmem:v3+s8+$0x0], $0xffff  }
0xd1: {  	v59 =	vor.u32 $0x4, v3;
	v58 =	vld.idx.msk [tilespmem:v3+s7+$0x0], $0xffff  }
0xd2: {  	v60 =	vld.idx.msk [tilespmem:v5+s7+$0x0], $0xffff  }
0xd3: {  	v5 =	vld.idx.msk [tilespmem:v5+s8+$0x0], $0xffff;
	v3 =	vor.u32 $0x5, v3  }
0xd4: {  	v61 =	vld.idx.msk [tilespmem:v7+s7+$0x0], $0xffff  }
0xd5: {  	v7 =	vld.idx.msk [tilespmem:v7+s8+$0x0], $0xffff  }
0xd6: {  	v62 =	vld.idx.msk [tilespmem:v59+s7+$0x0], $0xffff  }
0xd7: {  	v10 =	vld.idx.msk [tilespmem:v59+s8+$0x0], $0xffff  }
0xd8: {  	v63 =	vld.idx.msk [tilespmem:v3+s7+$0x0], $0xffff  }
0xd9: {  	v3 =	vld.idx.msk [tilespmem:v3+s8+$0x0], $0xffff  }
0xda: {  	v4 =	vld.idx.msk [tilespmem:v4+s8+$0x0], $0xffff;
	_ =	sdelay $0x1  }
0xdb: {  	v7 =	vmul.f32 v7, v61;
	v10 =	vmul.f32 v10, v62  }
0xdc: {  	v8 =	vsub.f32 v58, v8  }
0xdd: {  	v5 =	vsub.f32 v60, v5;
	v7 =	vadd.f32 v10, v7;
	v3 =	vmul.f32 v3, v63  }
0xde: {  	v4 =	vsub.f32 v6, v4  }
0xdf: {  	v6 =	vmul.f32 v8, v8;
	v5 =	vmul.f32 v5, v5;
	v3 =	vadd.f32 v3, v7;
	_ =	sdelay $0x1  }
0xe0: {  	v4 =	vmul.f32 v4, v4;
	v5 =	vadd.f32 v5, v6;
	v3 =	vsub.f32 $1.000000000e+00, v3;
	_ =	sdelay $0x1  }
0xe1: {  	v4 =	vadd.f32 v4, v5;
	v3 =	vmul.f32 v3, v3;
	_ =	sdelay $0x1  }
0xe2: {  	v4 =	vmul.f32 v4, v1;
	v3 =	vmul.f32 v3, v2;
	_ =	sdelay $0x1  }
0xe3: {  	v3 =	vadd.f32 v3, v4;
	_ =	sdelay $0x1  }
0xe4: {  	v3 =	vsub.f32 $0.0e+00, v3;
	_ =	sdelay $0x1  }
0xe5: {  	v3 =	vmul.f32 $1.442695020e+00, v3;
	_ =	sdelay $0x1  }
0xe6: {  	(erf) = vpow2.f32 v3;
	_ =	sdelay $0x1  }
0xe7: {  	s29 =	simm.s32 $0x10  }
0xe8: {  	v3 =	vmov s29  }
0xe9: {  	v3 =	vshll.u32 v3, $0x3  }
0xea: {  	v5 =	vor.u32 v0, v3  }
0xeb: {  	v4 =	vor.u32 $0x2, v5;
	_ =	sdelay $0x2  }
0xec: {  	s29 =	simm.s32 $0x12400;
	v6 =	vor.u32 $0x1, v5;
	v3 =	vpop (erf)  }
0xed: {  	[tilespmem:s29+$0x0] =	vst v3  }
0xee: {  	s31 =	simm.s32 $0x20;
	s30 =	sor.u32 $0x1, s28;
	v7 =	vor.u32 $0x3, v5;
	v3 =	vld.idx.msk [tilespmem:v4+s7+$0x0], $0xffff  }
.LBB2_5:
0xef: {  	p2 =	sne.s32 s31, $0x3F0;
	v8 =	vld.idx.msk [tilespmem:v5+s8+$0x0], $0xffff  }
0xf0: {  	v10 =	vor.u32 $0x4, v5;
	v9 =	vld.idx.msk [tilespmem:v5+s7+$0x0], $0xffff  }
0xf1: {  	v11 =	vld.idx.msk [tilespmem:v6+s7+$0x0], $0xffff  }
0xf2: {  	v5 =	vor.u32 $0x5, v5;
	v6 =	vld.idx.msk [tilespmem:v6+s8+$0x0], $0xffff  }
0xf3: {  	v12 =	vld.idx.msk [tilespmem:v7+s7+$0x0], $0xffff  }
0xf4: {  	v7 =	vld.idx.msk [tilespmem:v7+s8+$0x0], $0xffff  }
0xf5: {  	v13 =	vld.idx.msk [tilespmem:v10+s7+$0x0], $0xffff  }
0xf6: {  	v10 =	vld.idx.msk [tilespmem:v10+s8+$0x0], $0xffff  }
0xf7: {  	v14 =	vld.idx.msk [tilespmem:v5+s7+$0x0], $0xffff  }
0xf8: {  	v5 =	vld.idx.msk [tilespmem:v5+s8+$0x0], $0xffff  }
0xf9: {  	v4 =	vld.idx.msk [tilespmem:v4+s8+$0x0], $0xffff;
	_ =	sdelay $0x2  }
0xfa: {  	v7 =	vmul.f32 v7, v12;
	v10 =	vmul.f32 v10, v13  }
0xfb: {  	v8 =	vsub.f32 v9, v8  }
0xfc: {  	v6 =	vsub.f32 v11, v6;
	v7 =	vadd.f32 v10, v7;
	v5 =	vmul.f32 v5, v14  }
0xfd: {  	v3 =	vsub.f32 v3, v4  }
0xfe: {  	v6 =	vmul.f32 v6, v6;
	v4 =	vmul.f32 v8, v8;
	v5 =	vadd.f32 v5, v7;
	_ =	sdelay $0x1  }
0xff: {  	v4 =	vadd.f32 v6, v4;
	v3 =	vmul.f32 v3, v3;
	v5 =	vsub.f32 $1.000000000e+00, v5;
	_ =	sdelay $0x1  }
0x100: {  	v3 =	vadd.f32 v3, v4;
	v4 =	vmul.f32 v5, v5;
	_ =	sdelay $0x1  }
0x101: {  	v3 =	vmul.f32 v3, v1;
	v4 =	vmul.f32 v4, v2;
	_ =	sdelay $0x1  }
0x102: {  	v3 =	vadd.f32 v4, v3;
	_ =	sdelay $0x1  }
0x103: {  	v3 =	vsub.f32 $0.0e+00, v3;
	_ =	sdelay $0x1  }
0x104: {  	v3 =	vmul.f32 $1.442695020e+00, v3;
	_ =	sdelay $0x1  }
0x105: {  	(erf) = vpow2.f32 v3;
	_ =	sdelay $0x2  }
0x106: {  	v3 =	vmov s31  }
0x107: {  	v3 =	vshll.u32 v3, $0x3  }
0x108: {  	v5 =	vor.u32 v0, v3  }
0x109: {  	v4 =	vor.u32 $0x2, v5  }
.Ltmp1:
0x10a: {  	(pc) =	sbr.rel @p2 .LBB2_5-.Ltmp1, $4  }
0x10b: {  	_ = 	snop  }
0x10c: {  	s29 =	sadd.s32 $0x10, s29;
	v6 =	vor.u32 $0x1, v5;
	v3 =	vpop (erf)  }
0x10d: {  	[tilespmem:s29+$0x0] =	vst v3  }
0x10e: {  	s31 =	sadd.s32 $0x10, s31;
	v7 =	vor.u32 $0x3, v5;
	v3 =	vld.idx.msk [tilespmem:v4+s7+$0x0], $0xffff  }
0x10f: {  	_ =	sdelay $0x3  }
0x110: {  	v8 =	vld.idx.msk [tilespmem:v5+s8+$0x0], $0xffff  }
0x111: {  	v9 =	vld.idx.msk [tilespmem:v5+s7+$0x0], $0xffff;
	v10 =	vor.u32 $0x4, v5  }
0x112: {  	v11 =	vld.idx.msk [tilespmem:v6+s7+$0x0], $0xffff  }
0x113: {  	v6 =	vld.idx.msk [tilespmem:v6+s8+$0x0], $0xffff;
	v5 =	vor.u32 $0x5, v5  }
0x114: {  	v12 =	vld.idx.msk [tilespmem:v7+s7+$0x0], $0xffff  }
0x115: {  	v7 =	vld.idx.msk [tilespmem:v7+s8+$0x0], $0xffff  }
0x116: {  	v13 =	vld.idx.msk [tilespmem:v10+s7+$0x0], $0xffff  }
0x117: {  	v10 =	vld.idx.msk [tilespmem:v10+s8+$0x0], $0xffff  }
0x118: {  	v14 =	vld.idx.msk [tilespmem:v5+s7+$0x0], $0xffff  }
0x119: {  	v5 =	vld.idx.msk [tilespmem:v5+s8+$0x0], $0xffff  }
0x11a: {  	v4 =	vld.idx.msk [tilespmem:v4+s8+$0x0], $0xffff;
	_ =	sdelay $0x1  }
0x11b: {  	v7 =	vmul.f32 v7, v12;
	v10 =	vmul.f32 v10, v13  }
0x11c: {  	v8 =	vsub.f32 v9, v8  }
0x11d: {  	v6 =	vsub.f32 v11, v6;
	v5 =	vmul.f32 v5, v14;
	v7 =	vadd.f32 v10, v7  }
0x11e: {  	v3 =	vsub.f32 v3, v4  }
0x11f: {  	v4 =	vmul.f32 v8, v8;
	v6 =	vmul.f32 v6, v6;
	v5 =	vadd.f32 v5, v7;
	_ =	sdelay $0x1  }
0x120: {  	v3 =	vmul.f32 v3, v3;
	v4 =	vadd.f32 v6, v4;
	v5 =	vsub.f32 $1.000000000e+00, v5;
	_ =	sdelay $0x1  }
0x121: {  	v3 =	vadd.f32 v3, v4;
	v4 =	vmul.f32 v5, v5;
	_ =	sdelay $0x1  }
0x122: {  	v3 =	vmul.f32 v3, v1;
	v4 =	vmul.f32 v4, v2;
	_ =	sdelay $0x1  }
0x123: {  	v3 =	vadd.f32 v4, v3;
	_ =	sdelay $0x1  }
0x124: {  	v3 =	vsub.f32 $0.0e+00, v3;
	_ =	sdelay $0x1  }
0x125: {  	v3 =	vmul.f32 $1.442695020e+00, v3;
	_ =	sdelay $0x1  }
0x126: {  	(erf) = vpow2.f32 v3;
	_ =	sdelay $0x6  }
0x127: {  	s30 =	sadd.s32 s9, s30  }
0x128: {  	s30 =	sshll.u32 s30, $0x7  }
0x129: {  	s29 =	sadd.s32 $0x10, s29;
	s30 =	sand.u32 $0x1FFFFF80, s30;
	v3 =	vpop (erf)  }
0x12a: {  	[tilespmem:s29+$0x0] =	vst v3;
	s29 =	sadd.s32 s1, s30;
	s30 =	simm.s32 $0x12400  }
0x12b: {  	[hbm4b:s29+s3] =	stream.linear.scatter [tilespmem:s30], [sflag:$0xA], $0x400, $0x38;
	[tilespmem:$0x1F370] =	vst v63  }
0x12c: {  	s29 =	sadd.s32 $0x5, s28  }
0x12d: {  	s29 =	smin.u32 s29, s10  }
0x12e: {  	s29 =	sadd.s32 s9, s29  }
0x12f: {  	s29 =	sshll.u32 s29, $0x7  }
0x130: {  	s30 =	sadd.s32 s5, s29  }
0x131: {  	[tilespmem:s25], [sflag:$0x2] =	stream.linear.gather [hbm4b:s30+s3], $0x400, $0x38;
	[tilespmem:$0x1F370] =	vst v63  }
0x132: {  	s29 =	sadd.s32 s6, s29  }
0x133: {  	[tilespmem:s26], [sflag:$0x2] =	stream.linear.gather [hbm4b:s29+s3], $0x400, $0x38;
	[tilespmem:$0x1F370] =	vst v63  }
0x134: {  	_ =	swait.ge [sflag:s18], $0x400  }
0x135: {  	[sflag:s18] =	ssyncset.done $0x0  }
0x136: {  	[sflag:s18] =	ssyncadd.s32 $0xFFFFFC00  }
0x137: {  	_ =	swait.ge [sflag:s18], $0x400  }
0x138: {  	[sflag:s18] =	ssyncset.done $0x0  }
0x139: {  	s29 =	simm.s32 $0xC00;
	[sflag:s18] =	ssyncadd.s32 $0xFFFFFC00  }
0x13a: {  	[tilespmem:s19], [sflag:$0x8] =	stream.indirect.gather [spmem:s2], $0x8, s29, s25, $0xb8;
	[tilespmem:$0x1F370] =	vst v63  }
0x13b: {  	s29 =	simm.s32 $0x1C00  }
0x13c: {  	[tilespmem:s20], [sflag:$0x8] =	stream.indirect.gather [spmem:s2], $0x8, s29, s25, $0xb8;
	[tilespmem:$0x1F370] =	vst v63  }
0x13d: {  	s29 =	simm.s32 $0x0;
	_ =	swait.ge [sflag:s22], $0x2000  }
0x13e: {  	v3 =	vmov s29;
	[sflag:s22] =	ssyncset.done $0x0  }
0x13f: {  	v3 =	vshll.u32 v3, $0x3;
	[sflag:s22] =	ssyncadd.s32 $0xFFFFE000  }
0x140: {  	v3 =	vor.u32 v0, v3;
	_ =	swait.ge [sflag:s22], $0x2000  }
0x141: {  	v4 =	vor.u32 $0x2, v3;
	[sflag:s22] =	ssyncset.done $0x0  }
0x142: {  	s29 =	simm.s32 @!p1 $0xB;
	[sflag:s22] =	ssyncadd.s32 $0xFFFFE000  }
0x143: {  	_ =	swait.ge @!p1 [sflag:s29], $0x400  }
0x144: {  	v5 =	vor.u32 $0x1, v3;
	[sflag:s29] =	ssyncset.done @!p1 $0x0  }
0x145: {  	[sflag:s29] =	ssyncadd.s32 @!p1 $0xFFFFFC00  }
0x146: {  	v7 =	vor.u32 $0x3, v3;
	v6 =	vld.idx.msk [tilespmem:v4+s14+$0x0], $0xffff  }
0x147: {  	v8 =	vld.idx.msk [tilespmem:v3+s15+$0x0], $0xffff  }
0x148: {  	v59 =	vor.u32 $0x4, v3;
	v58 =	vld.idx.msk [tilespmem:v3+s14+$0x0], $0xffff  }
0x149: {  	v60 =	vld.idx.msk [tilespmem:v5+s14+$0x0], $0xffff  }
0x14a: {  	v5 =	vld.idx.msk [tilespmem:v5+s15+$0x0], $0xffff;
	v3 =	vor.u32 $0x5, v3  }
0x14b: {  	v61 =	vld.idx.msk [tilespmem:v7+s14+$0x0], $0xffff  }
0x14c: {  	v7 =	vld.idx.msk [tilespmem:v7+s15+$0x0], $0xffff  }
0x14d: {  	v62 =	vld.idx.msk [tilespmem:v59+s14+$0x0], $0xffff  }
0x14e: {  	v10 =	vld.idx.msk [tilespmem:v59+s15+$0x0], $0xffff  }
0x14f: {  	v63 =	vld.idx.msk [tilespmem:v3+s14+$0x0], $0xffff  }
0x150: {  	v3 =	vld.idx.msk [tilespmem:v3+s15+$0x0], $0xffff  }
0x151: {  	v4 =	vld.idx.msk [tilespmem:v4+s15+$0x0], $0xffff;
	_ =	sdelay $0x1  }
0x152: {  	v7 =	vmul.f32 v7, v61;
	v10 =	vmul.f32 v10, v62  }
0x153: {  	v8 =	vsub.f32 v58, v8  }
0x154: {  	v5 =	vsub.f32 v60, v5;
	v7 =	vadd.f32 v10, v7;
	v3 =	vmul.f32 v3, v63  }
0x155: {  	v4 =	vsub.f32 v6, v4  }
0x156: {  	v6 =	vmul.f32 v8, v8;
	v5 =	vmul.f32 v5, v5;
	v3 =	vadd.f32 v3, v7;
	_ =	sdelay $0x1  }
0x157: {  	v4 =	vmul.f32 v4, v4;
	v5 =	vadd.f32 v5, v6;
	v3 =	vsub.f32 $1.000000000e+00, v3;
	_ =	sdelay $0x1  }
0x158: {  	v4 =	vadd.f32 v4, v5;
	v3 =	vmul.f32 v3, v3;
	_ =	sdelay $0x1  }
0x159: {  	v4 =	vmul.f32 v4, v1;
	v3 =	vmul.f32 v3, v2;
	_ =	sdelay $0x1  }
0x15a: {  	v3 =	vadd.f32 v3, v4;
	_ =	sdelay $0x1  }
0x15b: {  	v3 =	vsub.f32 $0.0e+00, v3;
	_ =	sdelay $0x1  }
0x15c: {  	v3 =	vmul.f32 $1.442695020e+00, v3;
	_ =	sdelay $0x1  }
0x15d: {  	(erf) = vpow2.f32 v3;
	_ =	sdelay $0x1  }
0x15e: {  	s29 =	simm.s32 $0x10  }
0x15f: {  	v3 =	vmov s29  }
0x160: {  	v3 =	vshll.u32 v3, $0x3  }
0x161: {  	v5 =	vor.u32 v0, v3  }
0x162: {  	v4 =	vor.u32 $0x2, v5;
	_ =	sdelay $0x2  }
0x163: {  	s29 =	simm.s32 $0x12800;
	v6 =	vor.u32 $0x1, v5;
	v3 =	vpop (erf)  }
0x164: {  	[tilespmem:s29+$0x0] =	vst v3  }
0x165: {  	s31 =	simm.s32 $0x20;
	s30 =	sor.u32 $0x2, s28;
	v7 =	vor.u32 $0x3, v5;
	v3 =	vld.idx.msk [tilespmem:v4+s14+$0x0], $0xffff  }
.LBB2_7:
0x166: {  	p2 =	sne.s32 s31, $0x3F0;
	v8 =	vld.idx.msk [tilespmem:v5+s15+$0x0], $0xffff  }
0x167: {  	v10 =	vor.u32 $0x4, v5;
	v9 =	vld.idx.msk [tilespmem:v5+s14+$0x0], $0xffff  }
0x168: {  	v11 =	vld.idx.msk [tilespmem:v6+s14+$0x0], $0xffff  }
0x169: {  	v5 =	vor.u32 $0x5, v5;
	v6 =	vld.idx.msk [tilespmem:v6+s15+$0x0], $0xffff  }
0x16a: {  	v12 =	vld.idx.msk [tilespmem:v7+s14+$0x0], $0xffff  }
0x16b: {  	v7 =	vld.idx.msk [tilespmem:v7+s15+$0x0], $0xffff  }
0x16c: {  	v13 =	vld.idx.msk [tilespmem:v10+s14+$0x0], $0xffff  }
0x16d: {  	v10 =	vld.idx.msk [tilespmem:v10+s15+$0x0], $0xffff  }
0x16e: {  	v14 =	vld.idx.msk [tilespmem:v5+s14+$0x0], $0xffff  }
0x16f: {  	v5 =	vld.idx.msk [tilespmem:v5+s15+$0x0], $0xffff  }
0x170: {  	v4 =	vld.idx.msk [tilespmem:v4+s15+$0x0], $0xffff;
	_ =	sdelay $0x2  }
0x171: {  	v7 =	vmul.f32 v7, v12;
	v10 =	vmul.f32 v10, v13  }
0x172: {  	v8 =	vsub.f32 v9, v8  }
0x173: {  	v6 =	vsub.f32 v11, v6;
	v7 =	vadd.f32 v10, v7;
	v5 =	vmul.f32 v5, v14  }
0x174: {  	v3 =	vsub.f32 v3, v4  }
0x175: {  	v6 =	vmul.f32 v6, v6;
	v4 =	vmul.f32 v8, v8;
	v5 =	vadd.f32 v5, v7;
	_ =	sdelay $0x1  }
0x176: {  	v4 =	vadd.f32 v6, v4;
	v3 =	vmul.f32 v3, v3;
	v5 =	vsub.f32 $1.000000000e+00, v5;
	_ =	sdelay $0x1  }
0x177: {  	v3 =	vadd.f32 v3, v4;
	v4 =	vmul.f32 v5, v5;
	_ =	sdelay $0x1  }
0x178: {  	v3 =	vmul.f32 v3, v1;
	v4 =	vmul.f32 v4, v2;
	_ =	sdelay $0x1  }
0x179: {  	v3 =	vadd.f32 v4, v3;
	_ =	sdelay $0x1  }
0x17a: {  	v3 =	vsub.f32 $0.0e+00, v3;
	_ =	sdelay $0x1  }
0x17b: {  	v3 =	vmul.f32 $1.442695020e+00, v3;
	_ =	sdelay $0x1  }
0x17c: {  	(erf) = vpow2.f32 v3;
	_ =	sdelay $0x2  }
0x17d: {  	v3 =	vmov s31  }
0x17e: {  	v3 =	vshll.u32 v3, $0x3  }
0x17f: {  	v5 =	vor.u32 v0, v3  }
0x180: {  	v4 =	vor.u32 $0x2, v5  }
.Ltmp2:
0x181: {  	(pc) =	sbr.rel @p2 .LBB2_7-.Ltmp2, $4  }
0x182: {  	_ = 	snop  }
0x183: {  	s29 =	sadd.s32 $0x10, s29;
	v6 =	vor.u32 $0x1, v5;
	v3 =	vpop (erf)  }
0x184: {  	[tilespmem:s29+$0x0] =	vst v3  }
0x185: {  	s31 =	sadd.s32 $0x10, s31;
	v7 =	vor.u32 $0x3, v5;
	v3 =	vld.idx.msk [tilespmem:v4+s14+$0x0], $0xffff  }
0x186: {  	_ =	sdelay $0x3  }
0x187: {  	v8 =	vld.idx.msk [tilespmem:v5+s15+$0x0], $0xffff  }
0x188: {  	v9 =	vld.idx.msk [tilespmem:v5+s14+$0x0], $0xffff;
	v10 =	vor.u32 $0x4, v5  }
0x189: {  	v11 =	vld.idx.msk [tilespmem:v6+s14+$0x0], $0xffff  }
0x18a: {  	v6 =	vld.idx.msk [tilespmem:v6+s15+$0x0], $0xffff;
	v5 =	vor.u32 $0x5, v5  }
0x18b: {  	v12 =	vld.idx.msk [tilespmem:v7+s14+$0x0], $0xffff  }
0x18c: {  	v7 =	vld.idx.msk [tilespmem:v7+s15+$0x0], $0xffff  }
0x18d: {  	v13 =	vld.idx.msk [tilespmem:v10+s14+$0x0], $0xffff  }
0x18e: {  	v10 =	vld.idx.msk [tilespmem:v10+s15+$0x0], $0xffff  }
0x18f: {  	v14 =	vld.idx.msk [tilespmem:v5+s14+$0x0], $0xffff  }
0x190: {  	v5 =	vld.idx.msk [tilespmem:v5+s15+$0x0], $0xffff  }
0x191: {  	v4 =	vld.idx.msk [tilespmem:v4+s15+$0x0], $0xffff;
	_ =	sdelay $0x1  }
0x192: {  	v7 =	vmul.f32 v7, v12;
	v10 =	vmul.f32 v10, v13  }
0x193: {  	v8 =	vsub.f32 v9, v8  }
0x194: {  	v6 =	vsub.f32 v11, v6;
	v5 =	vmul.f32 v5, v14;
	v7 =	vadd.f32 v10, v7  }
0x195: {  	v3 =	vsub.f32 v3, v4  }
0x196: {  	v4 =	vmul.f32 v8, v8;
	v6 =	vmul.f32 v6, v6;
	v5 =	vadd.f32 v5, v7;
	_ =	sdelay $0x1  }
0x197: {  	v3 =	vmul.f32 v3, v3;
	v4 =	vadd.f32 v6, v4;
	v5 =	vsub.f32 $1.000000000e+00, v5;
	_ =	sdelay $0x1  }
0x198: {  	v3 =	vadd.f32 v3, v4;
	v4 =	vmul.f32 v5, v5;
	_ =	sdelay $0x1  }
0x199: {  	v3 =	vmul.f32 v3, v1;
	v4 =	vmul.f32 v4, v2;
	_ =	sdelay $0x1  }
0x19a: {  	v3 =	vadd.f32 v4, v3;
	_ =	sdelay $0x1  }
0x19b: {  	v3 =	vsub.f32 $0.0e+00, v3;
	_ =	sdelay $0x1  }
0x19c: {  	v3 =	vmul.f32 $1.442695020e+00, v3;
	_ =	sdelay $0x1  }
0x19d: {  	(erf) = vpow2.f32 v3;
	_ =	sdelay $0x6  }
0x19e: {  	s30 =	sadd.s32 s9, s30  }
0x19f: {  	s30 =	sshll.u32 s30, $0x7  }
0x1a0: {  	s29 =	sadd.s32 $0x10, s29;
	s30 =	sand.u32 $0x1FFFFF80, s30;
	v3 =	vpop (erf)  }
0x1a1: {  	[tilespmem:s29+$0x0] =	vst v3;
	s29 =	sadd.s32 s1, s30;
	s30 =	simm.s32 $0x12800  }
0x1a2: {  	[hbm4b:s29+s3] =	stream.linear.scatter [tilespmem:s30], [sflag:$0xB], $0x400, $0x38;
	[tilespmem:$0x1F370] =	vst v63  }
0x1a3: {  	s29 =	sadd.s32 $0x6, s28  }
0x1a4: {  	s29 =	smin.u32 s29, s10  }
0x1a5: {  	s29 =	sadd.s32 s9, s29  }
0x1a6: {  	s29 =	sshll.u32 s29, $0x7  }
0x1a7: {  	s31 =	simm.s32 $0x800;
	s30 =	sadd.s32 s5, s29  }
0x1a8: {  	[tilespmem:s31], [sflag:$0x3] =	stream.linear.gather [hbm4b:s30+s3], $0x400, $0x38;
	[tilespmem:$0x1F370] =	vst v63  }
0x1a9: {  	s29 =	sadd.s32 s6, s29;
	s30 =	simm.s32 $0x1800  }
0x1aa: {  	[tilespmem:s30], [sflag:$0x3] =	stream.linear.gather [hbm4b:s29+s3], $0x400, $0x38;
	[tilespmem:$0x1F370] =	vst v63  }
0x1ab: {  	_ =	swait.ge [sflag:s0], $0x400  }
0x1ac: {  	[sflag:s0] =	ssyncset.done $0x0  }
0x1ad: {  	[sflag:s0] =	ssyncadd.s32 $0xFFFFFC00  }
0x1ae: {  	_ =	swait.ge [sflag:s0], $0x400  }
0x1af: {  	[sflag:s0] =	ssyncset.done $0x0  }
0x1b0: {  	[sflag:s0] =	ssyncadd.s32 $0xFFFFFC00  }
0x1b1: {  	[tilespmem:s21], [sflag:$0x5] =	stream.indirect.gather [spmem:s2], $0x8, s3, s25, $0xb8;
	[tilespmem:$0x1F370] =	vst v63  }
0x1b2: {  	_ = 	snop  }
0x1b3: {  	[tilespmem:s23], [sflag:$0x5] =	stream.indirect.gather [spmem:s2], $0x8, s24, s25, $0xb8;
	[tilespmem:$0x1F370] =	vst v63  }
0x1b4: {  	s29 =	simm.s32 $0x0;
	_ =	swait.ge [sflag:s17], $0x2000  }
0x1b5: {  	v3 =	vmov s29;
	[sflag:s17] =	ssyncset.done $0x0  }
0x1b6: {  	v3 =	vshll.u32 v3, $0x3;
	[sflag:s17] =	ssyncadd.s32 $0xFFFFE000  }
0x1b7: {  	v3 =	vor.u32 v0, v3;
	_ =	swait.ge [sflag:s17], $0x2000  }
0x1b8: {  	v4 =	vor.u32 $0x2, v3;
	[sflag:s17] =	ssyncset.done $0x0  }
0x1b9: {  	s29 =	simm.s32 @!p1 $0xC;
	[sflag:s17] =	ssyncadd.s32 $0xFFFFE000  }
0x1ba: {  	_ =	swait.ge @!p1 [sflag:s29], $0x400  }
0x1bb: {  	v5 =	vor.u32 $0x1, v3;
	[sflag:s29] =	ssyncset.done @!p1 $0x0  }
0x1bc: {  	[sflag:s29] =	ssyncadd.s32 @!p1 $0xFFFFFC00  }
0x1bd: {  	v7 =	vor.u32 $0x3, v3;
	v6 =	vld.idx.msk [tilespmem:v4+s19+$0x0], $0xffff  }
0x1be: {  	v8 =	vld.idx.msk [tilespmem:v3+s20+$0x0], $0xffff  }
0x1bf: {  	v59 =	vor.u32 $0x4, v3;
	v58 =	vld.idx.msk [tilespmem:v3+s19+$0x0], $0xffff  }
0x1c0: {  	v60 =	vld.idx.msk [tilespmem:v5+s19+$0x0], $0xffff  }
0x1c1: {  	v5 =	vld.idx.msk [tilespmem:v5+s20+$0x0], $0xffff;
	v3 =	vor.u32 $0x5, v3  }
0x1c2: {  	v61 =	vld.idx.msk [tilespmem:v7+s19+$0x0], $0xffff  }
0x1c3: {  	v7 =	vld.idx.msk [tilespmem:v7+s20+$0x0], $0xffff  }
0x1c4: {  	v62 =	vld.idx.msk [tilespmem:v59+s19+$0x0], $0xffff  }
0x1c5: {  	v10 =	vld.idx.msk [tilespmem:v59+s20+$0x0], $0xffff  }
0x1c6: {  	v63 =	vld.idx.msk [tilespmem:v3+s19+$0x0], $0xffff  }
0x1c7: {  	v3 =	vld.idx.msk [tilespmem:v3+s20+$0x0], $0xffff  }
0x1c8: {  	v4 =	vld.idx.msk [tilespmem:v4+s20+$0x0], $0xffff;
	_ =	sdelay $0x1  }
0x1c9: {  	v7 =	vmul.f32 v7, v61;
	v10 =	vmul.f32 v10, v62  }
0x1ca: {  	v8 =	vsub.f32 v58, v8  }
0x1cb: {  	v5 =	vsub.f32 v60, v5;
	v7 =	vadd.f32 v10, v7;
	v3 =	vmul.f32 v3, v63  }
0x1cc: {  	v4 =	vsub.f32 v6, v4  }
0x1cd: {  	v6 =	vmul.f32 v8, v8;
	v5 =	vmul.f32 v5, v5;
	v3 =	vadd.f32 v3, v7;
	_ =	sdelay $0x1  }
0x1ce: {  	v4 =	vmul.f32 v4, v4;
	v5 =	vadd.f32 v5, v6;
	v3 =	vsub.f32 $1.000000000e+00, v3;
	_ =	sdelay $0x1  }
0x1cf: {  	v4 =	vadd.f32 v4, v5;
	v3 =	vmul.f32 v3, v3;
	_ =	sdelay $0x1  }
0x1d0: {  	v4 =	vmul.f32 v4, v1;
	v3 =	vmul.f32 v3, v2;
	_ =	sdelay $0x1  }
0x1d1: {  	v3 =	vadd.f32 v3, v4;
	_ =	sdelay $0x1  }
0x1d2: {  	v3 =	vsub.f32 $0.0e+00, v3;
	_ =	sdelay $0x1  }
0x1d3: {  	v3 =	vmul.f32 $1.442695020e+00, v3;
	_ =	sdelay $0x1  }
0x1d4: {  	(erf) = vpow2.f32 v3;
	_ =	sdelay $0x1  }
0x1d5: {  	s29 =	simm.s32 $0x10  }
0x1d6: {  	v3 =	vmov s29  }
0x1d7: {  	v3 =	vshll.u32 v3, $0x3  }
0x1d8: {  	v5 =	vor.u32 v0, v3  }
0x1d9: {  	v4 =	vor.u32 $0x2, v5;
	_ =	sdelay $0x2  }
0x1da: {  	s29 =	simm.s32 $0x12C00;
	v6 =	vor.u32 $0x1, v5;
	v3 =	vpop (erf)  }
0x1db: {  	[tilespmem:s29+$0x0] =	vst v3  }
0x1dc: {  	s31 =	simm.s32 $0x20;
	s30 =	sor.u32 $0x3, s28;
	v7 =	vor.u32 $0x3, v5;
	v3 =	vld.idx.msk [tilespmem:v4+s19+$0x0], $0xffff  }
.LBB2_9:
0x1dd: {  	p1 =	sne.s32 s31, $0x3F0;
	v8 =	vld.idx.msk [tilespmem:v5+s20+$0x0], $0xffff  }
0x1de: {  	v10 =	vor.u32 $0x4, v5;
	v9 =	vld.idx.msk [tilespmem:v5+s19+$0x0], $0xffff  }
0x1df: {  	v11 =	vld.idx.msk [tilespmem:v6+s19+$0x0], $0xffff  }
0x1e0: {  	v5 =	vor.u32 $0x5, v5;
	v6 =	vld.idx.msk [tilespmem:v6+s20+$0x0], $0xffff  }
0x1e1: {  	v12 =	vld.idx.msk [tilespmem:v7+s19+$0x0], $0xffff  }
0x1e2: {  	v7 =	vld.idx.msk [tilespmem:v7+s20+$0x0], $0xffff  }
0x1e3: {  	v13 =	vld.idx.msk [tilespmem:v10+s19+$0x0], $0xffff  }
0x1e4: {  	v10 =	vld.idx.msk [tilespmem:v10+s20+$0x0], $0xffff  }
0x1e5: {  	v14 =	vld.idx.msk [tilespmem:v5+s19+$0x0], $0xffff  }
0x1e6: {  	v5 =	vld.idx.msk [tilespmem:v5+s20+$0x0], $0xffff  }
0x1e7: {  	v4 =	vld.idx.msk [tilespmem:v4+s20+$0x0], $0xffff;
	_ =	sdelay $0x2  }
0x1e8: {  	v7 =	vmul.f32 v7, v12;
	v10 =	vmul.f32 v10, v13  }
0x1e9: {  	v8 =	vsub.f32 v9, v8  }
0x1ea: {  	v6 =	vsub.f32 v11, v6;
	v7 =	vadd.f32 v10, v7;
	v5 =	vmul.f32 v5, v14  }
0x1eb: {  	v3 =	vsub.f32 v3, v4  }
0x1ec: {  	v6 =	vmul.f32 v6, v6;
	v4 =	vmul.f32 v8, v8;
	v5 =	vadd.f32 v5, v7;
	_ =	sdelay $0x1  }
0x1ed: {  	v4 =	vadd.f32 v6, v4;
	v3 =	vmul.f32 v3, v3;
	v5 =	vsub.f32 $1.000000000e+00, v5;
	_ =	sdelay $0x1  }
0x1ee: {  	v3 =	vadd.f32 v3, v4;
	v4 =	vmul.f32 v5, v5;
	_ =	sdelay $0x1  }
0x1ef: {  	v3 =	vmul.f32 v3, v1;
	v4 =	vmul.f32 v4, v2;
	_ =	sdelay $0x1  }
0x1f0: {  	v3 =	vadd.f32 v4, v3;
	_ =	sdelay $0x1  }
0x1f1: {  	v3 =	vsub.f32 $0.0e+00, v3;
	_ =	sdelay $0x1  }
0x1f2: {  	v3 =	vmul.f32 $1.442695020e+00, v3;
	_ =	sdelay $0x1  }
0x1f3: {  	(erf) = vpow2.f32 v3;
	_ =	sdelay $0x2  }
0x1f4: {  	v3 =	vmov s31  }
0x1f5: {  	v3 =	vshll.u32 v3, $0x3  }
0x1f6: {  	v5 =	vor.u32 v0, v3  }
0x1f7: {  	v4 =	vor.u32 $0x2, v5  }
.Ltmp3:
0x1f8: {  	(pc) =	sbr.rel @p1 .LBB2_9-.Ltmp3, $4  }
0x1f9: {  	_ = 	snop  }
0x1fa: {  	s29 =	sadd.s32 $0x10, s29;
	v6 =	vor.u32 $0x1, v5;
	v3 =	vpop (erf)  }
0x1fb: {  	[tilespmem:s29+$0x0] =	vst v3  }
0x1fc: {  	s31 =	sadd.s32 $0x10, s31;
	v7 =	vor.u32 $0x3, v5;
	v3 =	vld.idx.msk [tilespmem:v4+s19+$0x0], $0xffff  }
0x1fd: {  	_ =	sdelay $0x3  }
0x1fe: {  	v8 =	vld.idx.msk [tilespmem:v5+s20+$0x0], $0xffff  }
0x1ff: {  	v9 =	vld.idx.msk [tilespmem:v5+s19+$0x0], $0xffff;
	v10 =	vor.u32 $0x4, v5  }
0x200: {  	v11 =	vld.idx.msk [tilespmem:v6+s19+$0x0], $0xffff  }
0x201: {  	v59 =	vld.idx.msk [tilespmem:v6+s20+$0x0], $0xffff;
	v60 =	vor.u32 $0x5, v5  }
0x202: {  	v12 =	vld.idx.msk [tilespmem:v7+s19+$0x0], $0xffff  }
0x203: {  	v61 =	vld.idx.msk [tilespmem:v7+s20+$0x0], $0xffff  }
0x204: {  	v13 =	vld.idx.msk [tilespmem:v10+s19+$0x0], $0xffff  }
0x205: {  	v10 =	vld.idx.msk [tilespmem:v10+s20+$0x0], $0xffff  }
0x206: {  	v14 =	vld.idx.msk [tilespmem:v60+s19+$0x0], $0xffff  }
0x207: {  	v5 =	vld.idx.msk [tilespmem:v60+s20+$0x0], $0xffff  }
0x208: {  	v4 =	vld.idx.msk [tilespmem:v4+s20+$0x0], $0xffff;
	_ =	sdelay $0x1  }
0x209: {  	v7 =	vmul.f32 v61, v12;
	v10 =	vmul.f32 v10, v13  }
0x20a: {  	v8 =	vsub.f32 v9, v8  }
0x20b: {  	v6 =	vsub.f32 v11, v59;
	v5 =	vmul.f32 v5, v14;
	v7 =	vadd.f32 v10, v7  }
0x20c: {  	v3 =	vsub.f32 v3, v4  }
0x20d: {  	v62 =	vmul.f32 v8, v8;
	v6 =	vmul.f32 v6, v6;
	v5 =	vadd.f32 v5, v7;
	_ =	sdelay $0x1  }
0x20e: {  	v3 =	vmul.f32 v3, v3;
	v4 =	vadd.f32 v6, v62;
	v5 =	vsub.f32 $1.000000000e+00, v5;
	_ =	sdelay $0x1  }
0x20f: {  	v3 =	vadd.f32 v3, v4;
	v63 =	vmul.f32 v5, v5;
	_ =	sdelay $0x1  }
0x210: {  	v3 =	vmul.f32 v3, v1;
	v4 =	vmul.f32 v63, v2;
	_ =	sdelay $0x1  }
0x211: {  	v3 =	vadd.f32 v4, v3;
	_ =	sdelay $0x1  }
0x212: {  	v3 =	vsub.f32 $0.0e+00, v3;
	_ =	sdelay $0x1  }
0x213: {  	v3 =	vmul.f32 $1.442695020e+00, v3;
	_ =	sdelay $0x1  }
0x214: {  	(erf) = vpow2.f32 v3;
	_ =	sdelay $0x6  }
0x215: {  	s30 =	smin.u32 s30, s10;
	s28 =	sadd.s32 $0x7, s28  }
0x216: {  	s30 =	sadd.s32 s9, s30;
	s28 =	smin.u32 s28, s10  }
0x217: {  	s29 =	sadd.s32 $0x10, s29;
	s30 =	sshll.u32 s30, $0x7;
	s28 =	sadd.s32 s9, s28;
	v3 =	vpop (erf)  }
0x218: {  	s31 =	simm.s32 $0x12C00;
	s28 =	sshll.u32 s28, $0x7;
	[tilespmem:s29+$0x0] =	vst v3;
	s29 =	sadd.s32 s1, s30  }
0x219: {  	[hbm4b:s29+s3] =	stream.linear.scatter [tilespmem:s31], [sflag:$0xC], $0x400, $0x38;
	[tilespmem:$0x1F370] =	vst v63  }
0x21a: {  	s29 =	sadd.s32 s5, s28;
	s31 =	simm.s32 $0xC00  }
0x21b: {  	[tilespmem:s31], [sflag:$0x4] =	stream.linear.gather [hbm4b:s29+s3], $0x400, $0x38;
	[tilespmem:$0x1F370] =	vst v63  }
0x21c: {  	s28 =	sadd.s32 s6, s28;
	s31 =	simm.s32 $0x1C00  }
0x21d: {  	[tilespmem:s31], [sflag:$0x4] =	stream.linear.gather [hbm4b:s28+s3], $0x400, $0x38;
	[tilespmem:$0x1F370] =	vst v63  }
0x21e: {  	_ =	swait.ge [sflag:s4], $0x400  }
0x21f: {  	[sflag:s4] =	ssyncset.done $0x0  }
0x220: {  	s12 =	sadd.s32 $0x1, s12;
	[sflag:s4] =	ssyncadd.s32 $0xFFFFFC00  }
0x221: {  	p1 =	sne.s32 s12, $0x31;
	_ =	swait.ge [sflag:s4], $0x400  }
.Ltmp4:
0x222: {  	[sflag:s4] =	ssyncset.done $0x0;
	(pc) =	sbr.rel @p1 .LBB2_2-.Ltmp4, $4  }
0x223: {  	[sflag:s4] =	ssyncadd.s32 $0xFFFFFC00  }
0x224: {  	[tilespmem:s7], [sflag:$0x6] =	stream.indirect.gather [spmem:s2], $0x8, s25, s25, $0xb8;
	[tilespmem:$0x1F370] =	vst v63  }
0x225: {  	_ = 	snop  }
0x226: {  	[tilespmem:s8], [sflag:$0x6] =	stream.indirect.gather [spmem:s2], $0x8, s26, s25, $0xb8;
	[tilespmem:$0x1F370] =	vst v63  }
0x227: {  	_ =	swait.ge [sflag:s11], $0x2000  }
0x228: {  	[sflag:s11] =	ssyncset.done $0x0  }
0x229: {  	[sflag:s11] =	ssyncadd.s32 $0xFFFFE000  }
0x22a: {  	_ =	swait.ge [sflag:s11], $0x2000  }
0x22b: {  	[sflag:s11] =	ssyncset.done $0x0  }
0x22c: {  	[sflag:s11] =	ssyncadd.s32 $0xFFFFE000  }
0x22d: {  	_ =	swait.ge [sflag:s16], $0x2000  }
0x22e: {  	[sflag:s16] =	ssyncset.done $0x0  }
0x22f: {  	[sflag:s16] =	ssyncadd.s32 $0xFFFFE000  }
0x230: {  	_ =	swait.ge [sflag:s16], $0x2000  }
0x231: {  	[sflag:s16] =	ssyncset.done $0x0  }
0x232: {  	[sflag:s16] =	ssyncadd.s32 $0xFFFFE000  }
0x233: {  	_ =	swait.ge [sflag:s13], $0x400  }
0x234: {  	[sflag:s13] =	ssyncset.done $0x0  }
0x235: {  	[sflag:s13] =	ssyncadd.s32 $0xFFFFFC00  }
0x236: {  	_ =	swait.ge [sflag:s13], $0x400  }
0x237: {  	[sflag:s13] =	ssyncset.done $0x0  }
0x238: {  	[sflag:s13] =	ssyncadd.s32 $0xFFFFFC00  }
0x239: {  	_ =	swait.ge [sflag:s18], $0x400  }
0x23a: {  	[sflag:s18] =	ssyncset.done $0x0  }
0x23b: {  	[sflag:s18] =	ssyncadd.s32 $0xFFFFFC00  }
0x23c: {  	_ =	swait.ge [sflag:s18], $0x400  }
0x23d: {  	[sflag:s18] =	ssyncset.done $0x0  }
0x23e: {  	s12 =	simm.s32 $0x9;
	[sflag:s18] =	ssyncadd.s32 $0xFFFFFC00  }
0x23f: {  	_ =	swait.ge [sflag:s12], $0x400  }
0x240: {  	[sflag:s12] =	ssyncset.done $0x0  }
0x241: {  	s28 =	simm.s32 $0xA;
	[sflag:s12] =	ssyncadd.s32 $0xFFFFFC00  }
0x242: {  	_ =	swait.ge [sflag:s28], $0x400  }
0x243: {  	[sflag:s28] =	ssyncset.done $0x0  }
0x244: {  	s30 =	simm.s32 $0xB;
	[sflag:s28] =	ssyncadd.s32 $0xFFFFFC00  }
0x245: {  	_ =	swait.ge [sflag:s30], $0x400  }
0x246: {  	[sflag:s30] =	ssyncset.done $0x0  }
0x247: {  	s28 =	simm.s32 $0xC;
	[sflag:s30] =	ssyncadd.s32 $0xFFFFFC00  }
0x248: {  	_ =	swait.ge [sflag:s28], $0x400  }
0x249: {  	s29 =	rddreg [dreg:$0x11]  }
0x24a: {  	s31 =	rddreg [dreg:$0xf];
	s29 =	sadd.s32 $0x1, s29  }
0x24b: {  	p1 =	sne.s32 s29, s31  }
.Ltmp5:
0x24c: {  	_ = 	snop;
	(pc) =	sbr.rel @p1 .LBB2_1-.Ltmp5, $3  }
0x24d: {  	_ =	sdelay $0x1  }
0x24e: {  	[sflag:s28] =	ssyncset.done $0x0  }
0x24f: {  	[sflag:s28] =	ssyncadd.s32 $0xFFFFFC00  }
0x250: {  	_ =	sfence.sel $0x180000  }
0x251: {  	[bflag:$0x0] =	sbarrier.arrive $0xFFFF  }
0x252: {  	_ =	strace $0x90000047  }
0x253: {  	[bflag:$0x2] =	sbarrier.arrive $0xFFFF  }
0x254: {  	s0 =	rddreg [dreg:$0x3]  }
0x255: {  	s0 =	sadd.s32 @!p0 $0x100000, s0  }
0x256: {  	[sflag:s0] =	ssyncadd.tile.s32 @!p0 $0x1;
	_ =	shalt  }
.Lfunc_end2:
_tile_overlayer_lowered:
.L_overlay_start_2:
0x257: {  	(tag) =	ssettag $0x2  }
0x258: {  	s0 =	rddreg [dreg:$0x0];
	s2 =	stileid.u32  }
0x259: {  	s1 =	rddreg [dreg:$0x1];
	p0 =	sne.s32 s2, $0x0  }
0x25a: {  	s3 =	rddreg [dreg:$0x2];
	[bflag:$0x3] =	sbarrier.arrive $0xFFFF;
	s2 =	simm.s32 @!p0 $0x1C0D  }
0x25b: {  	[timem:s3], [sflag:s2] =	dma.local @!p0 [hbm:s0], s1  }
0x25c: {  	s0 =	simm.s32 @!p0 $0xD  }
0x25d: {  	_ =	swait.ge @!p0 [sflag:s0], s1  }
0x25e: {  	s1 =	ssub.s32 @!p0 $0x0, s1;
	[sflag:s0] =	ssyncset.done @!p0 $0x0  }
0x25f: {  	[sflag:s0] =	ssyncadd.s32 @!p0 s1  }
0x260: {  	[bflag:$0x3] =	sbarrier.arrive $0xFFFF  }
0x261: {  	_ =	shalt  }

</sc_bundles>
